<compile_context>
chip_gen: v7x
topology: tpu7x:2x2x1
jax: 0.10.2.dev20260603
libtpu: 0.0.44.dev20260713+nightly
codegen_flags: <defaults>
</compile_context>

<pallas_src>
import functools

import jax
import jax.numpy as jnp
from jax import lax
from jax.experimental import pallas as pl
from jax.experimental.pallas import tpu as pltpu
from jax.experimental.pallas import tpu_sc as plsc

B = 4096
L = 200
I = 128
X1 = 57

NC = 2
NS = 16
NW = NC * NS
BPW = B // NW
NCH = I // 16
NG = BPW // 16


def _tree_sum(vals):
    vals = list(vals)
    while len(vals) > 1:
        nxt = [vals[i] + vals[i + 1] for i in range(0, len(vals) - 1, 2)]
        if len(vals) % 2:
            nxt.append(vals[-1])
        vals = nxt
    return vals[0]


@functools.partial(
    pl.kernel,
    mesh=plsc.VectorSubcoreMesh(core_axis_name="c", subcore_axis_name="s"),
    out_type=jax.ShapeDtypeStruct((B,), jnp.float32),
    scratch_types=[
        pltpu.VMEM((BPW, I), jnp.float32),
        pltpu.VMEM((I,), jnp.float32),
        pltpu.VMEM((16,), jnp.float32),
        pltpu.VMEM((16, 17), jnp.float32),
        pltpu.VMEM((BPW,), jnp.float32),
        pltpu.SemaphoreType.DMA,
        pltpu.SemaphoreType.DMA,
    ],
    compiler_params=pltpu.CompilerParams(
        needs_layout_passes=False,
        disable_bounds_checks=True,
        disable_semaphore_checks=True,
    ),
)
def _sc_head(x_hbm, w_hbm, b_hbm, out_hbm,
             rows_v, w_v, b_v, pt_v, out_v, sem0, sem1):
    wid = lax.axis_index("s") * NC + lax.axis_index("c")
    base = wid * BPW
    qr = BPW // 2

    cps = [
        pltpu.async_copy(
            x_hbm.at[pl.ds(base + q * qr, qr), X1],
            rows_v.at[pl.ds(q * qr, qr)], sem)
        for q, sem in enumerate((sem0, sem1))
    ]
    pltpu.sync_copy(w_hbm, w_v)
    pltpu.sync_copy(b_hbm, b_v)

    wc = [w_v[pl.ds(c * 16, 16)] for c in range(NCH)]
    bias_vec = b_v[...]
    iota = lax.broadcasted_iota(jnp.int32, (16,), 0)

    def group_body(g, _):
        def row_body(r, _):
            row = g * 16 + r
            acc = _tree_sum(
                rows_v[row, pl.ds(c * 16, 16)] * wc[c] for c in range(NCH))
            pt_v[r, pl.ds(0, 16)] = acc
            return 0

        lax.fori_loop(0, 16, row_body, 0, unroll=4)

        cols = [
            plsc.load_gather(pt_v, [iota, jnp.full((16,), j, jnp.int32)])
            for j in range(16)
        ]
        res = bias_vec + _tree_sum(cols)
        out_v[pl.ds(g * 16, 16)] = 1.0 / (1.0 + jnp.exp(-res))
        return 0

    gpq = NG // 2
    for q in range(2):
        cps[q].wait()
        lax.fori_loop(q * gpq, (q + 1) * gpq, group_body, 0)

    pltpu.sync_copy(out_v, out_hbm.at[pl.ds(base, BPW)])


def kernel(x, W, bias):
    w = W.reshape(I)
    b16 = jnp.broadcast_to(bias, (16,)).astype(jnp.float32)
    probs = _sc_head(x, w, b16)
    return probs.reshape(B, 1, 1)

# --- scband reference (transcript-rebuilt; emitter-appended) ---
"""Pipeline reference for scband-single-scope-4226247819584 (READ-ONLY COPY).

The authoritative reference and input builder live on the scoring server;
editing this copy changes nothing except your own understanding.
"""

import jax, jax.numpy as jnp
import numpy as np

B = 4096
L = 200
I = 128
X1 = 57

def setup_inputs(seed: int = 0) -> dict:
    key = jax.random.key(seed)
    k1, k2, k3 = jax.random.split(key, 3)
    x = jax.random.normal(k1, (B, L, I), dtype=jnp.float32)
    # Bernoulli(1, I): a Bernoulli head parameterized by a linear map I -> 1 + sigmoid
    W = jax.random.normal(k2, (1, I), dtype=jnp.float32) * (1.0 / np.sqrt(I))
    bias = jax.random.normal(k3, (1,), dtype=jnp.float32) * 0.01
    return {"x": x, "W": W, "bias": bias}

def reference(x, W, bias):
    # out = x[:, x1, :]  -- gather a single slot along the sequence axis
    out = x[:, X1, :]                      # [B, I]
    # out = self.b(out)  -- Bernoulli(1, I) head: linear I->1 then sigmoid (Bernoulli prob)
    logits = out @ W.T + bias              # [B, 1]
    probs = jax.nn.sigmoid(logits)         # [B, 1]
    # torch.unsqueeze(out, axis=1)
    return jnp.expand_dims(probs, axis=1)  # [B, 1, 1]

if __name__ == "__main__":
    import jax
    _d = setup_inputs()
    print(jax.jit(kernel)(*tuple(_d.values())))

</pallas_src>

<mosaic_0001>
#map = affine_map<(d0, d1) -> (0, 0, 0)>
#map1 = affine_map<(d0, d1) -> (0)>
module attributes {stable_mosaic.version = 14 : i64} {
  func.func @_sc_head(%arg0: i32, %arg1: i32, %arg2: memref<4096x200x128xf32, #tpu.memory_space<hbm>>, %arg3: memref<128xf32, #tpu.memory_space<hbm>>, %arg4: memref<16xf32, #tpu.memory_space<hbm>>, %arg5: memref<4096xf32, #tpu.memory_space<hbm>>, %arg6: memref<128x128xf32, #tpu.memory_space<vmem>>, %arg7: memref<128xf32, #tpu.memory_space<vmem>>, %arg8: memref<16xf32, #tpu.memory_space<vmem>>, %arg9: memref<16x17xf32, #tpu.memory_space<vmem>>, %arg10: memref<128xf32, #tpu.memory_space<vmem>>, %arg11: memref<!tpu.dma_semaphore, #tpu.memory_space<semaphore_mem>>, %arg12: memref<!tpu.dma_semaphore, #tpu.memory_space<semaphore_mem>>) attributes {dimension_semantics = [#tpu.dimension_semantics<core_parallel>, #tpu.dimension_semantics<subcore_parallel>], iteration_bounds = array<i64: 2, 16>, scalar_prefetch = 0 : i64, scratch_operands = 7 : i64, tpu.core_type = #tpu.core_type<sc_vector_subcore>, window_params = [{transform_indices = #map}, {transform_indices = #map1}, {transform_indices = #map1}, {transform_indices = #map1}]} {
    %mul3A = arith.constant 2 : i32
    %mul3A_0 = arith.muli %arg1, %mul3A : i32
    %add3A = arith.addi %mul3A_0, %arg0 : i32
    %mul3A_1 = arith.constant 128 : i32
    %mul3A_2 = arith.muli %add3A, %mul3A_1 : i32
    %add3A_3 = arith.constant 0 : i32
    %add3A_4 = arith.addi %mul3A_2, %add3A_3 : i32
    %dma_start3A = arith.constant 57 : i32
    %dma_start3A_5 = arith.constant 0 : i32
    %dma_start3A_6 = arith.constant 0 : i32
    %dma_start3A_7 = tpu.memref_slice %arg6[%dma_start3A_5, %dma_start3A_6] : memref<128x128xf32, #tpu.memory_space<vmem>> -> memref<64x128xf32, #tpu.memory_space<vmem>>
    %dma_start3A_8 = arith.constant 0 : i32
    %dma_start3A_9 = tpu.memref_slice %arg2[%add3A_4, %dma_start3A, %dma_start3A_8] : memref<4096x200x128xf32, #tpu.memory_space<hbm>> -> memref<64x1x128xf32, #tpu.memory_space<hbm>>
    %dma_start3A_10 = tpu.memref_squeeze %dma_start3A_9 : memref<64x1x128xf32, #tpu.memory_space<hbm>> -> memref<64x128xf32, #tpu.memory_space<hbm>>
    %dma_start3A_11 = arith.constant 0 : i32
    %dma_start3A_12 = arith.constant 0 : i32
    %dma_start3A_13 = tpu.memref_slice %arg6[%dma_start3A_11, %dma_start3A_12] : memref<128x128xf32, #tpu.memory_space<vmem>> -> memref<64x128xf32, #tpu.memory_space<vmem>>
    %dma_start3A_14 = arith.constant 0 : i32
    %dma_start3A_15 = tpu.memref_slice %arg2[%add3A_4, %dma_start3A, %dma_start3A_14] : memref<4096x200x128xf32, #tpu.memory_space<hbm>> -> memref<64x1x128xf32, #tpu.memory_space<hbm>>
    %dma_start3A_16 = tpu.memref_squeeze %dma_start3A_15 : memref<64x1x128xf32, #tpu.memory_space<hbm>> -> memref<64x128xf32, #tpu.memory_space<hbm>>
    tpu.enqueue_dma source(%dma_start3A_16 : memref<64x128xf32, #tpu.memory_space<hbm>>) target(%dma_start3A_13 : memref<64x128xf32, #tpu.memory_space<vmem>>) target_semaphore(%arg11 : memref<!tpu.dma_semaphore, #tpu.memory_space<semaphore_mem>>)
    %add3A_17 = arith.constant 64 : i32
    %add3A_18 = arith.addi %mul3A_2, %add3A_17 : i32
    %dma_start3A_19 = arith.constant 57 : i32
    %dma_start3A_20 = arith.constant 64 : i32
    %dma_start3A_21 = arith.constant 0 : i32
    %dma_start3A_22 = tpu.memref_slice %arg6[%dma_start3A_20, %dma_start3A_21] : memref<128x128xf32, #tpu.memory_space<vmem>> -> memref<64x128xf32, #tpu.memory_space<vmem>>
    %dma_start3A_23 = arith.constant 0 : i32
    %dma_start3A_24 = tpu.memref_slice %arg2[%add3A_18, %dma_start3A_19, %dma_start3A_23] : memref<4096x200x128xf32, #tpu.memory_space<hbm>> -> memref<64x1x128xf32, #tpu.memory_space<hbm>>
    %dma_start3A_25 = tpu.memref_squeeze %dma_start3A_24 : memref<64x1x128xf32, #tpu.memory_space<hbm>> -> memref<64x128xf32, #tpu.memory_space<hbm>>
    %dma_start3A_26 = arith.constant 64 : i32
    %dma_start3A_27 = arith.constant 0 : i32
    %dma_start3A_28 = tpu.memref_slice %arg6[%dma_start3A_26, %dma_start3A_27] : memref<128x128xf32, #tpu.memory_space<vmem>> -> memref<64x128xf32, #tpu.memory_space<vmem>>
    %dma_start3A_29 = arith.constant 0 : i32
    %dma_start3A_30 = tpu.memref_slice %arg2[%add3A_18, %dma_start3A_19, %dma_start3A_29] : memref<4096x200x128xf32, #tpu.memory_space<hbm>> -> memref<64x1x128xf32, #tpu.memory_space<hbm>>
    %dma_start3A_31 = tpu.memref_squeeze %dma_start3A_30 : memref<64x1x128xf32, #tpu.memory_space<hbm>> -> memref<64x128xf32, #tpu.memory_space<hbm>>
    tpu.enqueue_dma source(%dma_start3A_31 : memref<64x128xf32, #tpu.memory_space<hbm>>) target(%dma_start3A_28 : memref<64x128xf32, #tpu.memory_space<vmem>>) target_semaphore(%arg12 : memref<!tpu.dma_semaphore, #tpu.memory_space<semaphore_mem>>)
    "tpu.region"() ({
      %run_scoped3A = tpu.sem_alloc : memref<!tpu.dma_semaphore, #tpu.memory_space<semaphore_mem>>
      tpu.enqueue_dma source(%arg3 : memref<128xf32, #tpu.memory_space<hbm>>) target(%arg7 : memref<128xf32, #tpu.memory_space<vmem>>) target_semaphore(%run_scoped3A : memref<!tpu.dma_semaphore, #tpu.memory_space<semaphore_mem>>)
      tpu.wait_dma2 semaphore(%run_scoped3A : memref<!tpu.dma_semaphore, #tpu.memory_space<semaphore_mem>>) src(%arg3 : memref<128xf32, #tpu.memory_space<hbm>>) dst(%arg7 : memref<128xf32, #tpu.memory_space<vmem>>)
      tpu.yield
    }) : () -> ()
    "tpu.region"() ({
      %run_scoped3A = tpu.sem_alloc : memref<!tpu.dma_semaphore, #tpu.memory_space<semaphore_mem>>
      tpu.enqueue_dma source(%arg4 : memref<16xf32, #tpu.memory_space<hbm>>) target(%arg8 : memref<16xf32, #tpu.memory_space<vmem>>) target_semaphore(%run_scoped3A : memref<!tpu.dma_semaphore, #tpu.memory_space<semaphore_mem>>)
      tpu.wait_dma2 semaphore(%run_scoped3A : memref<!tpu.dma_semaphore, #tpu.memory_space<semaphore_mem>>) src(%arg4 : memref<16xf32, #tpu.memory_space<hbm>>) dst(%arg8 : memref<16xf32, #tpu.memory_space<vmem>>)
      tpu.yield
    }) : () -> ()
    %get3A = arith.constant 0 : index
    %get3A_32 = tpu.vector_load %arg7[%get3A] {strides = array<i32>} : memref<128xf32, #tpu.memory_space<vmem>>, vector<16xf32>,
    %get3A_33 = arith.constant 16 : index
    %get3A_34 = tpu.vector_load %arg7[%get3A_33] {strides = array<i32>} : memref<128xf32, #tpu.memory_space<vmem>>, vector<16xf32>,
    %get3A_35 = arith.constant 32 : index
    %get3A_36 = tpu.vector_load %arg7[%get3A_35] {strides = array<i32>} : memref<128xf32, #tpu.memory_space<vmem>>, vector<16xf32>,
    %get3A_37 = arith.constant 48 : index
    %get3A_38 = tpu.vector_load %arg7[%get3A_37] {strides = array<i32>} : memref<128xf32, #tpu.memory_space<vmem>>, vector<16xf32>,
    %get3A_39 = arith.constant 64 : index
    %get3A_40 = tpu.vector_load %arg7[%get3A_39] {strides = array<i32>} : memref<128xf32, #tpu.memory_space<vmem>>, vector<16xf32>,
    %get3A_41 = arith.constant 80 : index
    %get3A_42 = tpu.vector_load %arg7[%get3A_41] {strides = array<i32>} : memref<128xf32, #tpu.memory_space<vmem>>, vector<16xf32>,
    %get3A_43 = arith.constant 96 : index
    %get3A_44 = tpu.vector_load %arg7[%get3A_43] {strides = array<i32>} : memref<128xf32, #tpu.memory_space<vmem>>, vector<16xf32>,
    %get3A_45 = arith.constant 112 : index
    %get3A_46 = tpu.vector_load %arg7[%get3A_45] {strides = array<i32>} : memref<128xf32, #tpu.memory_space<vmem>>, vector<16xf32>,
    %get3A_47 = arith.constant 0 : index
    %get3A_48 = tpu.vector_load %arg8[%get3A_47] {strides = array<i32>} : memref<16xf32, #tpu.memory_space<vmem>>, vector<16xf32>,
    %iota3A = tpu.iota {dimensions = array<i32: 0>} : vector<16xi32>
    %dma_wait3A = arith.constant 57 : i32
    %dma_wait3A_49 = arith.constant 0 : i32
    %dma_wait3A_50 = arith.constant 0 : i32
    %dma_wait3A_51 = tpu.memref_slice %arg6[%dma_wait3A_49, %dma_wait3A_50] : memref<128x128xf32, #tpu.memory_space<vmem>> -> memref<64x128xf32, #tpu.memory_space<vmem>>
    %dma_wait3A_52 = arith.constant 0 : i32
    %dma_wait3A_53 = tpu.memref_slice %arg2[%add3A_4, %dma_wait3A, %dma_wait3A_52] : memref<4096x200x128xf32, #tpu.memory_space<hbm>> -> memref<64x1x128xf32, #tpu.memory_space<hbm>>
    %dma_wait3A_54 = tpu.memref_squeeze %dma_wait3A_53 : memref<64x1x128xf32, #tpu.memory_space<hbm>> -> memref<64x128xf32, #tpu.memory_space<hbm>>
    %dma_wait3A_55 = arith.constant 0 : i32
    %dma_wait3A_56 = arith.constant 0 : i32
    %dma_wait3A_57 = tpu.memref_slice %arg6[%dma_wait3A_55, %dma_wait3A_56] : memref<128x128xf32, #tpu.memory_space<vmem>> -> memref<64x128xf32, #tpu.memory_space<vmem>>
    %dma_wait3A_58 = arith.constant 0 : i32
    %dma_wait3A_59 = tpu.memref_slice %arg2[%add3A_4, %dma_wait3A, %dma_wait3A_58] : memref<4096x200x128xf32, #tpu.memory_space<hbm>> -> memref<64x1x128xf32, #tpu.memory_space<hbm>>
    %dma_wait3A_60 = tpu.memref_squeeze %dma_wait3A_59 : memref<64x1x128xf32, #tpu.memory_space<hbm>> -> memref<64x128xf32, #tpu.memory_space<hbm>>
    tpu.wait_dma2 semaphore(%arg11 : memref<!tpu.dma_semaphore, #tpu.memory_space<semaphore_mem>>) src(%dma_wait3A_60 : memref<64x128xf32, #tpu.memory_space<hbm>>) dst(%dma_wait3A_57 : memref<64x128xf32, #tpu.memory_space<vmem>>)
    %scan3A = arith.constant 0 : i32
    %scan3A_61 = arith.constant 0 : i32
    %scan3A_62 = arith.constant 4 : i32
    %scan3A_63 = arith.addi %scan3A_61, %scan3A_62 : i32
    %scan3A_64 = arith.constant 1 : i32
    %scan3A_65 = scf.for %scan3A_87 = %scan3A_61 to %scan3A_63 step %scan3A_64 iter_args(%scan3A_88 = %scan3A) -> (i32)  : i32 {
      %scan3A_89 = arith.constant 0 : i32
      %scan3A_90 = arith.constant 0 : i32
      %scan3A_91 = arith.constant 16 : i32
      %scan3A_92 = arith.addi %scan3A_90, %scan3A_91 : i32
      %scan3A_93 = arith.constant 4 : i32
      %scan3A_94 = scf.for %scan3A_169 = %scan3A_90 to %scan3A_92 step %scan3A_93 iter_args(%scan3A_170 = %scan3A_89) -> (i32)  : i32 {
        %mul3A_171 = arith.constant 16 : i32
        %mul3A_172 = arith.muli %scan3A_87, %mul3A_171 : i32
        %add3A_173 = arith.addi %mul3A_172, %scan3A_169 : i32
        %get3A_174 = arith.index_cast %add3A_173 : i32 to index
        %get3A_175 = arith.constant 0 : index
        %get3A_176 = tpu.vector_load %arg6[%get3A_174, %get3A_175] {strides = array<i32>} : memref<128x128xf32, #tpu.memory_space<vmem>>, vector<16xf32>,
        %mul3A_177 = arith.mulf %get3A_176, %get3A_32 : vector<16xf32>
        %get3A_178 = arith.index_cast %add3A_173 : i32 to index
        %get3A_179 = arith.constant 16 : index
        %get3A_180 = tpu.vector_load %arg6[%get3A_178, %get3A_179] {strides = array<i32>} : memref<128x128xf32, #tpu.memory_space<vmem>>, vector<16xf32>,
        %mul3A_181 = arith.mulf %get3A_180, %get3A_34 : vector<16xf32>
        %get3A_182 = arith.index_cast %add3A_173 : i32 to index
        %get3A_183 = arith.constant 32 : index
        %get3A_184 = tpu.vector_load %arg6[%get3A_182, %get3A_183] {strides = array<i32>} : memref<128x128xf32, #tpu.memory_space<vmem>>, vector<16xf32>,
        %mul3A_185 = arith.mulf %get3A_184, %get3A_36 : vector<16xf32>
        %get3A_186 = arith.index_cast %add3A_173 : i32 to index
        %get3A_187 = arith.constant 48 : index
        %get3A_188 = tpu.vector_load %arg6[%get3A_186, %get3A_187] {strides = array<i32>} : memref<128x128xf32, #tpu.memory_space<vmem>>, vector<16xf32>,
        %mul3A_189 = arith.mulf %get3A_188, %get3A_38 : vector<16xf32>
        %get3A_190 = arith.index_cast %add3A_173 : i32 to index
        %get3A_191 = arith.constant 64 : index
        %get3A_192 = tpu.vector_load %arg6[%get3A_190, %get3A_191] {strides = array<i32>} : memref<128x128xf32, #tpu.memory_space<vmem>>, vector<16xf32>,
        %mul3A_193 = arith.mulf %get3A_192, %get3A_40 : vector<16xf32>
        %get3A_194 = arith.index_cast %add3A_173 : i32 to index
        %get3A_195 = arith.constant 80 : index
        %get3A_196 = tpu.vector_load %arg6[%get3A_194, %get3A_195] {strides = array<i32>} : memref<128x128xf32, #tpu.memory_space<vmem>>, vector<16xf32>,
        %mul3A_197 = arith.mulf %get3A_196, %get3A_42 : vector<16xf32>
        %get3A_198 = arith.index_cast %add3A_173 : i32 to index
        %get3A_199 = arith.constant 96 : index
        %get3A_200 = tpu.vector_load %arg6[%get3A_198, %get3A_199] {strides = array<i32>} : memref<128x128xf32, #tpu.memory_space<vmem>>, vector<16xf32>,
        %mul3A_201 = arith.mulf %get3A_200, %get3A_44 : vector<16xf32>
        %get3A_202 = arith.index_cast %add3A_173 : i32 to index
        %get3A_203 = arith.constant 112 : index
        %get3A_204 = tpu.vector_load %arg6[%get3A_202, %get3A_203] {strides = array<i32>} : memref<128x128xf32, #tpu.memory_space<vmem>>, vector<16xf32>,
        %mul3A_205 = arith.mulf %get3A_204, %get3A_46 : vector<16xf32>
        %add3A_206 = arith.addf %mul3A_177, %mul3A_181 : vector<16xf32>
        %add3A_207 = arith.addf %mul3A_185, %mul3A_189 : vector<16xf32>
        %add3A_208 = arith.addf %mul3A_193, %mul3A_197 : vector<16xf32>
        %add3A_209 = arith.addf %mul3A_201, %mul3A_205 : vector<16xf32>
        %add3A_210 = arith.addf %add3A_206, %add3A_207 : vector<16xf32>
        %add3A_211 = arith.addf %add3A_208, %add3A_209 : vector<16xf32>
        %add3A_212 = arith.addf %add3A_210, %add3A_211 : vector<16xf32>
        %swap3A_213 = arith.index_cast %scan3A_169 : i32 to index
        %swap3A_214 = arith.constant 0 : index
        %swap3A_215 = tpu.vector_load %arg9[%swap3A_213, %swap3A_214] {strides = array<i32>} : memref<16x17xf32, #tpu.memory_space<vmem>>, vector<16xf32>,
        tpu.vector_store %arg9[%swap3A_213, %swap3A_214], %add3A_212 {strides = array<i32>} : memref<16x17xf32, #tpu.memory_space<vmem>>, vector<16xf32>,
        %scan3A_216 = arith.constant 0 : i32
        %scan3A_217 = arith.constant 1 : i32
        %scan3A_218 = arith.addi %scan3A_169, %scan3A_217 : i32
        %mul3A_219 = arith.constant 16 : i32
        %mul3A_220 = arith.muli %scan3A_87, %mul3A_219 : i32
        %add3A_221 = arith.addi %mul3A_220, %scan3A_218 : i32
        %get3A_222 = arith.index_cast %add3A_221 : i32 to index
        %get3A_223 = arith.constant 0 : index
        %get3A_224 = tpu.vector_load %arg6[%get3A_222, %get3A_223] {strides = array<i32>} : memref<128x128xf32, #tpu.memory_space<vmem>>, vector<16xf32>,
        %mul3A_225 = arith.mulf %get3A_224, %get3A_32 : vector<16xf32>
        %get3A_226 = arith.index_cast %add3A_221 : i32 to index
        %get3A_227 = arith.constant 16 : index
        %get3A_228 = tpu.vector_load %arg6[%get3A_226, %get3A_227] {strides = array<i32>} : memref<128x128xf32, #tpu.memory_space<vmem>>, vector<16xf32>,
        %mul3A_229 = arith.mulf %get3A_228, %get3A_34 : vector<16xf32>
        %get3A_230 = arith.index_cast %add3A_221 : i32 to index
        %get3A_231 = arith.constant 32 : index
        %get3A_232 = tpu.vector_load %arg6[%get3A_230, %get3A_231] {strides = array<i32>} : memref<128x128xf32, #tpu.memory_space<vmem>>, vector<16xf32>,
        %mul3A_233 = arith.mulf %get3A_232, %get3A_36 : vector<16xf32>
        %get3A_234 = arith.index_cast %add3A_221 : i32 to index
        %get3A_235 = arith.constant 48 : index
        %get3A_236 = tpu.vector_load %arg6[%get3A_234, %get3A_235] {strides = array<i32>} : memref<128x128xf32, #tpu.memory_space<vmem>>, vector<16xf32>,
        %mul3A_237 = arith.mulf %get3A_236, %get3A_38 : vector<16xf32>
        %get3A_238 = arith.index_cast %add3A_221 : i32 to index
        %get3A_239 = arith.constant 64 : index
        %get3A_240 = tpu.vector_load %arg6[%get3A_238, %get3A_239] {strides = array<i32>} : memref<128x128xf32, #tpu.memory_space<vmem>>, vector<16xf32>,
        %mul3A_241 = arith.mulf %get3A_240, %get3A_40 : vector<16xf32>
        %get3A_242 = arith.index_cast %add3A_221 : i32 to index
        %get3A_243 = arith.constant 80 : index
        %get3A_244 = tpu.vector_load %arg6[%get3A_242, %get3A_243] {strides = array<i32>} : memref<128x128xf32, #tpu.memory_space<vmem>>, vector<16xf32>,
        %mul3A_245 = arith.mulf %get3A_244, %get3A_42 : vector<16xf32>
        %get3A_246 = arith.index_cast %add3A_221 : i32 to index
        %get3A_247 = arith.constant 96 : index
        %get3A_248 = tpu.vector_load %arg6[%get3A_246, %get3A_247] {strides = array<i32>} : memref<128x128xf32, #tpu.memory_space<vmem>>, vector<16xf32>,
        %mul3A_249 = arith.mulf %get3A_248, %get3A_44 : vector<16xf32>
        %get3A_250 = arith.index_cast %add3A_221 : i32 to index
        %get3A_251 = arith.constant 112 : index
        %get3A_252 = tpu.vector_load %arg6[%get3A_250, %get3A_251] {strides = array<i32>} : memref<128x128xf32, #tpu.memory_space<vmem>>, vector<16xf32>,
        %mul3A_253 = arith.mulf %get3A_252, %get3A_46 : vector<16xf32>
        %add3A_254 = arith.addf %mul3A_225, %mul3A_229 : vector<16xf32>
        %add3A_255 = arith.addf %mul3A_233, %mul3A_237 : vector<16xf32>
        %add3A_256 = arith.addf %mul3A_241, %mul3A_245 : vector<16xf32>
        %add3A_257 = arith.addf %mul3A_249, %mul3A_253 : vector<16xf32>
        %add3A_258 = arith.addf %add3A_254, %add3A_255 : vector<16xf32>
        %add3A_259 = arith.addf %add3A_256, %add3A_257 : vector<16xf32>
        %add3A_260 = arith.addf %add3A_258, %add3A_259 : vector<16xf32>
        %swap3A_261 = arith.index_cast %scan3A_218 : i32 to index
        %swap3A_262 = arith.constant 0 : index
        %swap3A_263 = tpu.vector_load %arg9[%swap3A_261, %swap3A_262] {strides = array<i32>} : memref<16x17xf32, #tpu.memory_space<vmem>>, vector<16xf32>,
        tpu.vector_store %arg9[%swap3A_261, %swap3A_262], %add3A_260 {strides = array<i32>} : memref<16x17xf32, #tpu.memory_space<vmem>>, vector<16xf32>,
        %scan3A_264 = arith.constant 0 : i32
        %scan3A_265 = arith.constant 2 : i32
        %scan3A_266 = arith.addi %scan3A_169, %scan3A_265 : i32
        %mul3A_267 = arith.constant 16 : i32
        %mul3A_268 = arith.muli %scan3A_87, %mul3A_267 : i32
        %add3A_269 = arith.addi %mul3A_268, %scan3A_266 : i32
        %get3A_270 = arith.index_cast %add3A_269 : i32 to index
        %get3A_271 = arith.constant 0 : index
        %get3A_272 = tpu.vector_load %arg6[%get3A_270, %get3A_271] {strides = array<i32>} : memref<128x128xf32, #tpu.memory_space<vmem>>, vector<16xf32>,
        %mul3A_273 = arith.mulf %get3A_272, %get3A_32 : vector<16xf32>
        %get3A_274 = arith.index_cast %add3A_269 : i32 to index
        %get3A_275 = arith.constant 16 : index
        %get3A_276 = tpu.vector_load %arg6[%get3A_274, %get3A_275] {strides = array<i32>} : memref<128x128xf32, #tpu.memory_space<vmem>>, vector<16xf32>,
        %mul3A_277 = arith.mulf %get3A_276, %get3A_34 : vector<16xf32>
        %get3A_278 = arith.index_cast %add3A_269 : i32 to index
        %get3A_279 = arith.constant 32 : index
        %get3A_280 = tpu.vector_load %arg6[%get3A_278, %get3A_279] {strides = array<i32>} : memref<128x128xf32, #tpu.memory_space<vmem>>, vector<16xf32>,
        %mul3A_281 = arith.mulf %get3A_280, %get3A_36 : vector<16xf32>
        %get3A_282 = arith.index_cast %add3A_269 : i32 to index
        %get3A_283 = arith.constant 48 : index
        %get3A_284 = tpu.vector_load %arg6[%get3A_282, %get3A_283] {strides = array<i32>} : memref<128x128xf32, #tpu.memory_space<vmem>>, vector<16xf32>,
        %mul3A_285 = arith.mulf %get3A_284, %get3A_38 : vector<16xf32>
        %get3A_286 = arith.index_cast %add3A_269 : i32 to index
        %get3A_287 = arith.constant 64 : index
        %get3A_288 = tpu.vector_load %arg6[%get3A_286, %get3A_287] {strides = array<i32>} : memref<128x128xf32, #tpu.memory_space<vmem>>, vector<16xf32>,
        %mul3A_289 = arith.mulf %get3A_288, %get3A_40 : vector<16xf32>
        %get3A_290 = arith.index_cast %add3A_269 : i32 to index
        %get3A_291 = arith.constant 80 : index
        %get3A_292 = tpu.vector_load %arg6[%get3A_290, %get3A_291] {strides = array<i32>} : memref<128x128xf32, #tpu.memory_space<vmem>>, vector<16xf32>,
        %mul3A_293 = arith.mulf %get3A_292, %get3A_42 : vector<16xf32>
        %get3A_294 = arith.index_cast %add3A_269 : i32 to index
        %get3A_295 = arith.constant 96 : index
        %get3A_296 = tpu.vector_load %arg6[%get3A_294, %get3A_295] {strides = array<i32>} : memref<128x128xf32, #tpu.memory_space<vmem>>, vector<16xf32>,
        %mul3A_297 = arith.mulf %get3A_296, %get3A_44 : vector<16xf32>
        %get3A_298 = arith.index_cast %add3A_269 : i32 to index
        %get3A_299 = arith.constant 112 : index
        %get3A_300 = tpu.vector_load %arg6[%get3A_298, %get3A_299] {strides = array<i32>} : memref<128x128xf32, #tpu.memory_space<vmem>>, vector<16xf32>,
        %mul3A_301 = arith.mulf %get3A_300, %get3A_46 : vector<16xf32>
        %add3A_302 = arith.addf %mul3A_273, %mul3A_277 : vector<16xf32>
        %add3A_303 = arith.addf %mul3A_281, %mul3A_285 : vector<16xf32>
        %add3A_304 = arith.addf %mul3A_289, %mul3A_293 : vector<16xf32>
        %add3A_305 = arith.addf %mul3A_297, %mul3A_301 : vector<16xf32>
        %add3A_306 = arith.addf %add3A_302, %add3A_303 : vector<16xf32>
        %add3A_307 = arith.addf %add3A_304, %add3A_305 : vector<16xf32>
        %add3A_308 = arith.addf %add3A_306, %add3A_307 : vector<16xf32>
        %swap3A_309 = arith.index_cast %scan3A_266 : i32 to index
        %swap3A_310 = arith.constant 0 : index
        %swap3A_311 = tpu.vector_load %arg9[%swap3A_309, %swap3A_310] {strides = array<i32>} : memref<16x17xf32, #tpu.memory_space<vmem>>, vector<16xf32>,
        tpu.vector_store %arg9[%swap3A_309, %swap3A_310], %add3A_308 {strides = array<i32>} : memref<16x17xf32, #tpu.memory_space<vmem>>, vector<16xf32>,
        %scan3A_312 = arith.constant 0 : i32
        %scan3A_313 = arith.constant 3 : i32
        %scan3A_314 = arith.addi %scan3A_169, %scan3A_313 : i32
        %mul3A_315 = arith.constant 16 : i32
        %mul3A_316 = arith.muli %scan3A_87, %mul3A_315 : i32
        %add3A_317 = arith.addi %mul3A_316, %scan3A_314 : i32
        %get3A_318 = arith.index_cast %add3A_317 : i32 to index
        %get3A_319 = arith.constant 0 : index
        %get3A_320 = tpu.vector_load %arg6[%get3A_318, %get3A_319] {strides = array<i32>} : memref<128x128xf32, #tpu.memory_space<vmem>>, vector<16xf32>,
        %mul3A_321 = arith.mulf %get3A_320, %get3A_32 : vector<16xf32>
        %get3A_322 = arith.index_cast %add3A_317 : i32 to index
        %get3A_323 = arith.constant 16 : index
        %get3A_324 = tpu.vector_load %arg6[%get3A_322, %get3A_323] {strides = array<i32>} : memref<128x128xf32, #tpu.memory_space<vmem>>, vector<16xf32>,
        %mul3A_325 = arith.mulf %get3A_324, %get3A_34 : vector<16xf32>
        %get3A_326 = arith.index_cast %add3A_317 : i32 to index
        %get3A_327 = arith.constant 32 : index
        %get3A_328 = tpu.vector_load %arg6[%get3A_326, %get3A_327] {strides = array<i32>} : memref<128x128xf32, #tpu.memory_space<vmem>>, vector<16xf32>,
        %mul3A_329 = arith.mulf %get3A_328, %get3A_36 : vector<16xf32>
        %get3A_330 = arith.index_cast %add3A_317 : i32 to index
        %get3A_331 = arith.constant 48 : index
        %get3A_332 = tpu.vector_load %arg6[%get3A_330, %get3A_331] {strides = array<i32>} : memref<128x128xf32, #tpu.memory_space<vmem>>, vector<16xf32>,
        %mul3A_333 = arith.mulf %get3A_332, %get3A_38 : vector<16xf32>
        %get3A_334 = arith.index_cast %add3A_317 : i32 to index
        %get3A_335 = arith.constant 64 : index
        %get3A_336 = tpu.vector_load %arg6[%get3A_334, %get3A_335] {strides = array<i32>} : memref<128x128xf32, #tpu.memory_space<vmem>>, vector<16xf32>,
        %mul3A_337 = arith.mulf %get3A_336, %get3A_40 : vector<16xf32>
        %get3A_338 = arith.index_cast %add3A_317 : i32 to index
        %get3A_339 = arith.constant 80 : index
        %get3A_340 = tpu.vector_load %arg6[%get3A_338, %get3A_339] {strides = array<i32>} : memref<128x128xf32, #tpu.memory_space<vmem>>, vector<16xf32>,
        %mul3A_341 = arith.mulf %get3A_340, %get3A_42 : vector<16xf32>
        %get3A_342 = arith.index_cast %add3A_317 : i32 to index
        %get3A_343 = arith.constant 96 : index
        %get3A_344 = tpu.vector_load %arg6[%get3A_342, %get3A_343] {strides = array<i32>} : memref<128x128xf32, #tpu.memory_space<vmem>>, vector<16xf32>,
        %mul3A_345 = arith.mulf %get3A_344, %get3A_44 : vector<16xf32>
        %get3A_346 = arith.index_cast %add3A_317 : i32 to index
        %get3A_347 = arith.constant 112 : index
        %get3A_348 = tpu.vector_load %arg6[%get3A_346, %get3A_347] {strides = array<i32>} : memref<128x128xf32, #tpu.memory_space<vmem>>, vector<16xf32>,
        %mul3A_349 = arith.mulf %get3A_348, %get3A_46 : vector<16xf32>
        %add3A_350 = arith.addf %mul3A_321, %mul3A_325 : vector<16xf32>
        %add3A_351 = arith.addf %mul3A_329, %mul3A_333 : vector<16xf32>
        %add3A_352 = arith.addf %mul3A_337, %mul3A_341 : vector<16xf32>
        %add3A_353 = arith.addf %mul3A_345, %mul3A_349 : vector<16xf32>
        %add3A_354 = arith.addf %add3A_350, %add3A_351 : vector<16xf32>
        %add3A_355 = arith.addf %add3A_352, %add3A_353 : vector<16xf32>
        %add3A_356 = arith.addf %add3A_354, %add3A_355 : vector<16xf32>
        %swap3A_357 = arith.index_cast %scan3A_314 : i32 to index
        %swap3A_358 = arith.constant 0 : index
        %swap3A_359 = tpu.vector_load %arg9[%swap3A_357, %swap3A_358] {strides = array<i32>} : memref<16x17xf32, #tpu.memory_space<vmem>>, vector<16xf32>,
        tpu.vector_store %arg9[%swap3A_357, %swap3A_358], %add3A_356 {strides = array<i32>} : memref<16x17xf32, #tpu.memory_space<vmem>>, vector<16xf32>,
        %scan3A_360 = arith.constant 0 : i32
        scf.yield %scan3A_360 : i32
      }
      %scan3A_95 = arith.constant 16 : i32
      %broadcast_in_dim3A = arith.constant 0 : i32
      %broadcast_in_dim3A_96 = vector.broadcast %broadcast_in_dim3A : i32 to vector<16xi32>
      %gather3A = tpu.vector_load_idx %arg9[%iota3A, %broadcast_in_dim3A_96] : memref<16x17xf32, #tpu.memory_space<vmem>>[vector<16xi32>, vector<16xi32>], vector<16xf32>,
      %broadcast_in_dim3A_97 = arith.constant 1 : i32
      %broadcast_in_dim3A_98 = vector.broadcast %broadcast_in_dim3A_97 : i32 to vector<16xi32>
      %gather3A_99 = tpu.vector_load_idx %arg9[%iota3A, %broadcast_in_dim3A_98] : memref<16x17xf32, #tpu.memory_space<vmem>>[vector<16xi32>, vector<16xi32>], vector<16xf32>,
      %broadcast_in_dim3A_100 = arith.constant 2 : i32
      %broadcast_in_dim3A_101 = vector.broadcast %broadcast_in_dim3A_100 : i32 to vector<16xi32>
      %gather3A_102 = tpu.vector_load_idx %arg9[%iota3A, %broadcast_in_dim3A_101] : memref<16x17xf32, #tpu.memory_space<vmem>>[vector<16xi32>, vector<16xi32>], vector<16xf32>,
      %broadcast_in_dim3A_103 = arith.constant 3 : i32
      %broadcast_in_dim3A_104 = vector.broadcast %broadcast_in_dim3A_103 : i32 to vector<16xi32>
      %gather3A_105 = tpu.vector_load_idx %arg9[%iota3A, %broadcast_in_dim3A_104] : memref<16x17xf32, #tpu.memory_space<vmem>>[vector<16xi32>, vector<16xi32>], vector<16xf32>,
      %broadcast_in_dim3A_106 = arith.constant 4 : i32
      %broadcast_in_dim3A_107 = vector.broadcast %broadcast_in_dim3A_106 : i32 to vector<16xi32>
      %gather3A_108 = tpu.vector_load_idx %arg9[%iota3A, %broadcast_in_dim3A_107] : memref<16x17xf32, #tpu.memory_space<vmem>>[vector<16xi32>, vector<16xi32>], vector<16xf32>,
      %broadcast_in_dim3A_109 = arith.constant 5 : i32
      %broadcast_in_dim3A_110 = vector.broadcast %broadcast_in_dim3A_109 : i32 to vector<16xi32>
      %gather3A_111 = tpu.vector_load_idx %arg9[%iota3A, %broadcast_in_dim3A_110] : memref<16x17xf32, #tpu.memory_space<vmem>>[vector<16xi32>, vector<16xi32>], vector<16xf32>,
      %broadcast_in_dim3A_112 = arith.constant 6 : i32
      %broadcast_in_dim3A_113 = vector.broadcast %broadcast_in_dim3A_112 : i32 to vector<16xi32>
      %gather3A_114 = tpu.vector_load_idx %arg9[%iota3A, %broadcast_in_dim3A_113] : memref<16x17xf32, #tpu.memory_space<vmem>>[vector<16xi32>, vector<16xi32>], vector<16xf32>,
      %broadcast_in_dim3A_115 = arith.constant 7 : i32
      %broadcast_in_dim3A_116 = vector.broadcast %broadcast_in_dim3A_115 : i32 to vector<16xi32>
      %gather3A_117 = tpu.vector_load_idx %arg9[%iota3A, %broadcast_in_dim3A_116] : memref<16x17xf32, #tpu.memory_space<vmem>>[vector<16xi32>, vector<16xi32>], vector<16xf32>,
      %broadcast_in_dim3A_118 = arith.constant 8 : i32
      %broadcast_in_dim3A_119 = vector.broadcast %broadcast_in_dim3A_118 : i32 to vector<16xi32>
      %gather3A_120 = tpu.vector_load_idx %arg9[%iota3A, %broadcast_in_dim3A_119] : memref<16x17xf32, #tpu.memory_space<vmem>>[vector<16xi32>, vector<16xi32>], vector<16xf32>,
      %broadcast_in_dim3A_121 = arith.constant 9 : i32
      %broadcast_in_dim3A_122 = vector.broadcast %broadcast_in_dim3A_121 : i32 to vector<16xi32>
      %gather3A_123 = tpu.vector_load_idx %arg9[%iota3A, %broadcast_in_dim3A_122] : memref<16x17xf32, #tpu.memory_space<vmem>>[vector<16xi32>, vector<16xi32>], vector<16xf32>,
      %broadcast_in_dim3A_124 = arith.constant 10 : i32
      %broadcast_in_dim3A_125 = vector.broadcast %broadcast_in_dim3A_124 : i32 to vector<16xi32>
      %gather3A_126 = tpu.vector_load_idx %arg9[%iota3A, %broadcast_in_dim3A_125] : memref<16x17xf32, #tpu.memory_space<vmem>>[vector<16xi32>, vector<16xi32>], vector<16xf32>,
      %broadcast_in_dim3A_127 = arith.constant 11 : i32
      %broadcast_in_dim3A_128 = vector.broadcast %broadcast_in_dim3A_127 : i32 to vector<16xi32>
      %gather3A_129 = tpu.vector_load_idx %arg9[%iota3A, %broadcast_in_dim3A_128] : memref<16x17xf32, #tpu.memory_space<vmem>>[vector<16xi32>, vector<16xi32>], vector<16xf32>,
      %broadcast_in_dim3A_130 = arith.constant 12 : i32
      %broadcast_in_dim3A_131 = vector.broadcast %broadcast_in_dim3A_130 : i32 to vector<16xi32>
      %gather3A_132 = tpu.vector_load_idx %arg9[%iota3A, %broadcast_in_dim3A_131] : memref<16x17xf32, #tpu.memory_space<vmem>>[vector<16xi32>, vector<16xi32>], vector<16xf32>,
      %broadcast_in_dim3A_133 = arith.constant 13 : i32
      %broadcast_in_dim3A_134 = vector.broadcast %broadcast_in_dim3A_133 : i32 to vector<16xi32>
      %gather3A_135 = tpu.vector_load_idx %arg9[%iota3A, %broadcast_in_dim3A_134] : memref<16x17xf32, #tpu.memory_space<vmem>>[vector<16xi32>, vector<16xi32>], vector<16xf32>,
      %broadcast_in_dim3A_136 = arith.constant 14 : i32
      %broadcast_in_dim3A_137 = vector.broadcast %broadcast_in_dim3A_136 : i32 to vector<16xi32>
      %gather3A_138 = tpu.vector_load_idx %arg9[%iota3A, %broadcast_in_dim3A_137] : memref<16x17xf32, #tpu.memory_space<vmem>>[vector<16xi32>, vector<16xi32>], vector<16xf32>,
      %broadcast_in_dim3A_139 = arith.constant 15 : i32
      %broadcast_in_dim3A_140 = vector.broadcast %broadcast_in_dim3A_139 : i32 to vector<16xi32>
      %gather3A_141 = tpu.vector_load_idx %arg9[%iota3A, %broadcast_in_dim3A_140] : memref<16x17xf32, #tpu.memory_space<vmem>>[vector<16xi32>, vector<16xi32>], vector<16xf32>,
      %add3A_142 = arith.addf %gather3A, %gather3A_99 : vector<16xf32>
      %add3A_143 = arith.addf %gather3A_102, %gather3A_105 : vector<16xf32>
      %add3A_144 = arith.addf %gather3A_108, %gather3A_111 : vector<16xf32>
      %add3A_145 = arith.addf %gather3A_114, %gather3A_117 : vector<16xf32>
      %add3A_146 = arith.addf %gather3A_120, %gather3A_123 : vector<16xf32>
      %add3A_147 = arith.addf %gather3A_126, %gather3A_129 : vector<16xf32>
      %add3A_148 = arith.addf %gather3A_132, %gather3A_135 : vector<16xf32>
      %add3A_149 = arith.addf %gather3A_138, %gather3A_141 : vector<16xf32>
      %add3A_150 = arith.addf %add3A_142, %add3A_143 : vector<16xf32>
      %add3A_151 = arith.addf %add3A_144, %add3A_145 : vector<16xf32>
      %add3A_152 = arith.addf %add3A_146, %add3A_147 : vector<16xf32>
      %add3A_153 = arith.addf %add3A_148, %add3A_149 : vector<16xf32>
      %add3A_154 = arith.addf %add3A_150, %add3A_151 : vector<16xf32>
      %add3A_155 = arith.addf %add3A_152, %add3A_153 : vector<16xf32>
      %add3A_156 = arith.addf %add3A_154, %add3A_155 : vector<16xf32>
      %add3A_157 = arith.addf %get3A_48, %add3A_156 : vector<16xf32>
      %neg3A = arith.constant 0.000000e+00 : f32
      %neg3A_158 = vector.broadcast %neg3A : f32 to vector<16xf32>
      %neg3A_159 = arith.subf %neg3A_158, %add3A_157 : vector<16xf32>
      %exp3A = math.exp %neg3A_159 : vector<16xf32>
      %add3A_160 = arith.constant 1.000000e+00 : f32
      %add3A_161 = vector.broadcast %add3A_160 : f32 to vector<16xf32>
      %add3A_162 = arith.addf %add3A_161, %exp3A : vector<16xf32>
      %div3A = arith.constant 1.000000e+00 : f32
      %div3A_163 = vector.broadcast %div3A : f32 to vector<16xf32>
      %div3A_164 = arith.divf %div3A_163, %add3A_162 : vector<16xf32>
      %mul3A_165 = arith.constant 16 : i32
      %mul3A_166 = arith.muli %scan3A_87, %mul3A_165 : i32
      %swap3A = arith.index_cast %mul3A_166 : i32 to index
      %swap3A_167 = tpu.vector_load %arg10[%swap3A] {strides = array<i32>} : memref<128xf32, #tpu.memory_space<vmem>>, vector<16xf32>,
      tpu.vector_store %arg10[%swap3A], %div3A_164 {strides = array<i32>} : memref<128xf32, #tpu.memory_space<vmem>>, vector<16xf32>,
      %scan3A_168 = arith.constant 0 : i32
      scf.yield %scan3A_168 : i32
    }
    %scan3A_66 = arith.constant 4 : i32
    %dma_wait3A_67 = arith.constant 57 : i32
    %dma_wait3A_68 = arith.constant 64 : i32
    %dma_wait3A_69 = arith.constant 0 : i32
    %dma_wait3A_70 = tpu.memref_slice %arg6[%dma_wait3A_68, %dma_wait3A_69] : memref<128x128xf32, #tpu.memory_space<vmem>> -> memref<64x128xf32, #tpu.memory_space<vmem>>
    %dma_wait3A_71 = arith.constant 0 : i32
    %dma_wait3A_72 = tpu.memref_slice %arg2[%add3A_18, %dma_wait3A_67, %dma_wait3A_71] : memref<4096x200x128xf32, #tpu.memory_space<hbm>> -> memref<64x1x128xf32, #tpu.memory_space<hbm>>
    %dma_wait3A_73 = tpu.memref_squeeze %dma_wait3A_72 : memref<64x1x128xf32, #tpu.memory_space<hbm>> -> memref<64x128xf32, #tpu.memory_space<hbm>>
    %dma_wait3A_74 = arith.constant 64 : i32
    %dma_wait3A_75 = arith.constant 0 : i32
    %dma_wait3A_76 = tpu.memref_slice %arg6[%dma_wait3A_74, %dma_wait3A_75] : memref<128x128xf32, #tpu.memory_space<vmem>> -> memref<64x128xf32, #tpu.memory_space<vmem>>
    %dma_wait3A_77 = arith.constant 0 : i32
    %dma_wait3A_78 = tpu.memref_slice %arg2[%add3A_18, %dma_wait3A_67, %dma_wait3A_77] : memref<4096x200x128xf32, #tpu.memory_space<hbm>> -> memref<64x1x128xf32, #tpu.memory_space<hbm>>
    %dma_wait3A_79 = tpu.memref_squeeze %dma_wait3A_78 : memref<64x1x128xf32, #tpu.memory_space<hbm>> -> memref<64x128xf32, #tpu.memory_space<hbm>>
    tpu.wait_dma2 semaphore(%arg12 : memref<!tpu.dma_semaphore, #tpu.memory_space<semaphore_mem>>) src(%dma_wait3A_79 : memref<64x128xf32, #tpu.memory_space<hbm>>) dst(%dma_wait3A_76 : memref<64x128xf32, #tpu.memory_space<vmem>>)
    %scan3A_80 = arith.constant 0 : i32
    %scan3A_81 = arith.constant 4 : i32
    %scan3A_82 = arith.constant 4 : i32
    %scan3A_83 = arith.addi %scan3A_81, %scan3A_82 : i32
    %scan3A_84 = arith.constant 1 : i32
    %scan3A_85 = scf.for %scan3A_87 = %scan3A_81 to %scan3A_83 step %scan3A_84 iter_args(%scan3A_88 = %scan3A_80) -> (i32)  : i32 {
      %scan3A_89 = arith.constant 0 : i32
      %scan3A_90 = arith.constant 0 : i32
      %scan3A_91 = arith.constant 16 : i32
      %scan3A_92 = arith.addi %scan3A_90, %scan3A_91 : i32
      %scan3A_93 = arith.constant 4 : i32
      %scan3A_94 = scf.for %scan3A_169 = %scan3A_90 to %scan3A_92 step %scan3A_93 iter_args(%scan3A_170 = %scan3A_89) -> (i32)  : i32 {
        %mul3A_171 = arith.constant 16 : i32
        %mul3A_172 = arith.muli %scan3A_87, %mul3A_171 : i32
        %add3A_173 = arith.addi %mul3A_172, %scan3A_169 : i32
        %get3A_174 = arith.index_cast %add3A_173 : i32 to index
        %get3A_175 = arith.constant 0 : index
        %get3A_176 = tpu.vector_load %arg6[%get3A_174, %get3A_175] {strides = array<i32>} : memref<128x128xf32, #tpu.memory_space<vmem>>, vector<16xf32>,
        %mul3A_177 = arith.mulf %get3A_176, %get3A_32 : vector<16xf32>
        %get3A_178 = arith.index_cast %add3A_173 : i32 to index
        %get3A_179 = arith.constant 16 : index
        %get3A_180 = tpu.vector_load %arg6[%get3A_178, %get3A_179] {strides = array<i32>} : memref<128x128xf32, #tpu.memory_space<vmem>>, vector<16xf32>,
        %mul3A_181 = arith.mulf %get3A_180, %get3A_34 : vector<16xf32>
        %get3A_182 = arith.index_cast %add3A_173 : i32 to index
        %get3A_183 = arith.constant 32 : index
        %get3A_184 = tpu.vector_load %arg6[%get3A_182, %get3A_183] {strides = array<i32>} : memref<128x128xf32, #tpu.memory_space<vmem>>, vector<16xf32>,
        %mul3A_185 = arith.mulf %get3A_184, %get3A_36 : vector<16xf32>
        %get3A_186 = arith.index_cast %add3A_173 : i32 to index
        %get3A_187 = arith.constant 48 : index
        %get3A_188 = tpu.vector_load %arg6[%get3A_186, %get3A_187] {strides = array<i32>} : memref<128x128xf32, #tpu.memory_space<vmem>>, vector<16xf32>,
        %mul3A_189 = arith.mulf %get3A_188, %get3A_38 : vector<16xf32>
        %get3A_190 = arith.index_cast %add3A_173 : i32 to index
        %get3A_191 = arith.constant 64 : index
        %get3A_192 = tpu.vector_load %arg6[%get3A_190, %get3A_191] {strides = array<i32>} : memref<128x128xf32, #tpu.memory_space<vmem>>, vector<16xf32>,
        %mul3A_193 = arith.mulf %get3A_192, %get3A_40 : vector<16xf32>
        %get3A_194 = arith.index_cast %add3A_173 : i32 to index
        %get3A_195 = arith.constant 80 : index
        %get3A_196 = tpu.vector_load %arg6[%get3A_194, %get3A_195] {strides = array<i32>} : memref<128x128xf32, #tpu.memory_space<vmem>>, vector<16xf32>,
        %mul3A_197 = arith.mulf %get3A_196, %get3A_42 : vector<16xf32>
        %get3A_198 = arith.index_cast %add3A_173 : i32 to index
        %get3A_199 = arith.constant 96 : index
        %get3A_200 = tpu.vector_load %arg6[%get3A_198, %get3A_199] {strides = array<i32>} : memref<128x128xf32, #tpu.memory_space<vmem>>, vector<16xf32>,
        %mul3A_201 = arith.mulf %get3A_200, %get3A_44 : vector<16xf32>
        %get3A_202 = arith.index_cast %add3A_173 : i32 to index
        %get3A_203 = arith.constant 112 : index
        %get3A_204 = tpu.vector_load %arg6[%get3A_202, %get3A_203] {strides = array<i32>} : memref<128x128xf32, #tpu.memory_space<vmem>>, vector<16xf32>,
        %mul3A_205 = arith.mulf %get3A_204, %get3A_46 : vector<16xf32>
        %add3A_206 = arith.addf %mul3A_177, %mul3A_181 : vector<16xf32>
        %add3A_207 = arith.addf %mul3A_185, %mul3A_189 : vector<16xf32>
        %add3A_208 = arith.addf %mul3A_193, %mul3A_197 : vector<16xf32>
        %add3A_209 = arith.addf %mul3A_201, %mul3A_205 : vector<16xf32>
        %add3A_210 = arith.addf %add3A_206, %add3A_207 : vector<16xf32>
        %add3A_211 = arith.addf %add3A_208, %add3A_209 : vector<16xf32>
        %add3A_212 = arith.addf %add3A_210, %add3A_211 : vector<16xf32>
        %swap3A_213 = arith.index_cast %scan3A_169 : i32 to index
        %swap3A_214 = arith.constant 0 : index
        %swap3A_215 = tpu.vector_load %arg9[%swap3A_213, %swap3A_214] {strides = array<i32>} : memref<16x17xf32, #tpu.memory_space<vmem>>, vector<16xf32>,
        tpu.vector_store %arg9[%swap3A_213, %swap3A_214], %add3A_212 {strides = array<i32>} : memref<16x17xf32, #tpu.memory_space<vmem>>, vector<16xf32>,
        %scan3A_216 = arith.constant 0 : i32
        %scan3A_217 = arith.constant 1 : i32
        %scan3A_218 = arith.addi %scan3A_169, %scan3A_217 : i32
        %mul3A_219 = arith.constant 16 : i32
        %mul3A_220 = arith.muli %scan3A_87, %mul3A_219 : i32
        %add3A_221 = arith.addi %mul3A_220, %scan3A_218 : i32
        %get3A_222 = arith.index_cast %add3A_221 : i32 to index
        %get3A_223 = arith.constant 0 : index
        %get3A_224 = tpu.vector_load %arg6[%get3A_222, %get3A_223] {strides = array<i32>} : memref<128x128xf32, #tpu.memory_space<vmem>>, vector<16xf32>,
        %mul3A_225 = arith.mulf %get3A_224, %get3A_32 : vector<16xf32>
        %get3A_226 = arith.index_cast %add3A_221 : i32 to index
        %get3A_227 = arith.constant 16 : index
        %get3A_228 = tpu.vector_load %arg6[%get3A_226, %get3A_227] {strides = array<i32>} : memref<128x128xf32, #tpu.memory_space<vmem>>, vector<16xf32>,
        %mul3A_229 = arith.mulf %get3A_228, %get3A_34 : vector<16xf32>
        %get3A_230 = arith.index_cast %add3A_221 : i32 to index
        %get3A_231 = arith.constant 32 : index
        %get3A_232 = tpu.vector_load %arg6[%get3A_230, %get3A_231] {strides = array<i32>} : memref<128x128xf32, #tpu.memory_space<vmem>>, vector<16xf32>,
        %mul3A_233 = arith.mulf %get3A_232, %get3A_36 : vector<16xf32>
        %get3A_234 = arith.index_cast %add3A_221 : i32 to index
        %get3A_235 = arith.constant 48 : index
        %get3A_236 = tpu.vector_load %arg6[%get3A_234, %get3A_235] {strides = array<i32>} : memref<128x128xf32, #tpu.memory_space<vmem>>, vector<16xf32>,
        %mul3A_237 = arith.mulf %get3A_236, %get3A_38 : vector<16xf32>
        %get3A_238 = arith.index_cast %add3A_221 : i32 to index
        %get3A_239 = arith.constant 64 : index
        %get3A_240 = tpu.vector_load %arg6[%get3A_238, %get3A_239] {strides = array<i32>} : memref<128x128xf32, #tpu.memory_space<vmem>>, vector<16xf32>,
        %mul3A_241 = arith.mulf %get3A_240, %get3A_40 : vector<16xf32>
        %get3A_242 = arith.index_cast %add3A_221 : i32 to index
        %get3A_243 = arith.constant 80 : index
        %get3A_244 = tpu.vector_load %arg6[%get3A_242, %get3A_243] {strides = array<i32>} : memref<128x128xf32, #tpu.memory_space<vmem>>, vector<16xf32>,
        %mul3A_245 = arith.mulf %get3A_244, %get3A_42 : vector<16xf32>
        %get3A_246 = arith.index_cast %add3A_221 : i32 to index
        %get3A_247 = arith.constant 96 : index
        %get3A_248 = tpu.vector_load %arg6[%get3A_246, %get3A_247] {strides = array<i32>} : memref<128x128xf32, #tpu.memory_space<vmem>>, vector<16xf32>,
        %mul3A_249 = arith.mulf %get3A_248, %get3A_44 : vector<16xf32>
        %get3A_250 = arith.index_cast %add3A_221 : i32 to index
        %get3A_251 = arith.constant 112 : index
        %get3A_252 = tpu.vector_load %arg6[%get3A_250, %get3A_251] {strides = array<i32>} : memref<128x128xf32, #tpu.memory_space<vmem>>, vector<16xf32>,
        %mul3A_253 = arith.mulf %get3A_252, %get3A_46 : vector<16xf32>
        %add3A_254 = arith.addf %mul3A_225, %mul3A_229 : vector<16xf32>
        %add3A_255 = arith.addf %mul3A_233, %mul3A_237 : vector<16xf32>
        %add3A_256 = arith.addf %mul3A_241, %mul3A_245 : vector<16xf32>
        %add3A_257 = arith.addf %mul3A_249, %mul3A_253 : vector<16xf32>
        %add3A_258 = arith.addf %add3A_254, %add3A_255 : vector<16xf32>
        %add3A_259 = arith.addf %add3A_256, %add3A_257 : vector<16xf32>
        %add3A_260 = arith.addf %add3A_258, %add3A_259 : vector<16xf32>
        %swap3A_261 = arith.index_cast %scan3A_218 : i32 to index
        %swap3A_262 = arith.constant 0 : index
        %swap3A_263 = tpu.vector_load %arg9[%swap3A_261, %swap3A_262] {strides = array<i32>} : memref<16x17xf32, #tpu.memory_space<vmem>>, vector<16xf32>,
        tpu.vector_store %arg9[%swap3A_261, %swap3A_262], %add3A_260 {strides = array<i32>} : memref<16x17xf32, #tpu.memory_space<vmem>>, vector<16xf32>,
        %scan3A_264 = arith.constant 0 : i32
        %scan3A_265 = arith.constant 2 : i32
        %scan3A_266 = arith.addi %scan3A_169, %scan3A_265 : i32
        %mul3A_267 = arith.constant 16 : i32
        %mul3A_268 = arith.muli %scan3A_87, %mul3A_267 : i32
        %add3A_269 = arith.addi %mul3A_268, %scan3A_266 : i32
        %get3A_270 = arith.index_cast %add3A_269 : i32 to index
        %get3A_271 = arith.constant 0 : index
        %get3A_272 = tpu.vector_load %arg6[%get3A_270, %get3A_271] {strides = array<i32>} : memref<128x128xf32, #tpu.memory_space<vmem>>, vector<16xf32>,
        %mul3A_273 = arith.mulf %get3A_272, %get3A_32 : vector<16xf32>
        %get3A_274 = arith.index_cast %add3A_269 : i32 to index
        %get3A_275 = arith.constant 16 : index
        %get3A_276 = tpu.vector_load %arg6[%get3A_274, %get3A_275] {strides = array<i32>} : memref<128x128xf32, #tpu.memory_space<vmem>>, vector<16xf32>,
        %mul3A_277 = arith.mulf %get3A_276, %get3A_34 : vector<16xf32>
        %get3A_278 = arith.index_cast %add3A_269 : i32 to index
        %get3A_279 = arith.constant 32 : index
        %get3A_280 = tpu.vector_load %arg6[%get3A_278, %get3A_279] {strides = array<i32>} : memref<128x128xf32, #tpu.memory_space<vmem>>, vector<16xf32>,
        %mul3A_281 = arith.mulf %get3A_280, %get3A_36 : vector<16xf32>
        %get3A_282 = arith.index_cast %add3A_269 : i32 to index
        %get3A_283 = arith.constant 48 : index
        %get3A_284 = tpu.vector_load %arg6[%get3A_282, %get3A_283] {strides = array<i32>} : memref<128x128xf32, #tpu.memory_space<vmem>>, vector<16xf32>,
        %mul3A_285 = arith.mulf %get3A_284, %get3A_38 : vector<16xf32>
        %get3A_286 = arith.index_cast %add3A_269 : i32 to index
        %get3A_287 = arith.constant 64 : index
        %get3A_288 = tpu.vector_load %arg6[%get3A_286, %get3A_287] {strides = array<i32>} : memref<128x128xf32, #tpu.memory_space<vmem>>, vector<16xf32>,
        %mul3A_289 = arith.mulf %get3A_288, %get3A_40 : vector<16xf32>
        %get3A_290 = arith.index_cast %add3A_269 : i32 to index
        %get3A_291 = arith.constant 80 : index
        %get3A_292 = tpu.vector_load %arg6[%get3A_290, %get3A_291] {strides = array<i32>} : memref<128x128xf32, #tpu.memory_space<vmem>>, vector<16xf32>,
        %mul3A_293 = arith.mulf %get3A_292, %get3A_42 : vector<16xf32>
        %get3A_294 = arith.index_cast %add3A_269 : i32 to index
        %get3A_295 = arith.constant 96 : index
        %get3A_296 = tpu.vector_load %arg6[%get3A_294, %get3A_295] {strides = array<i32>} : memref<128x128xf32, #tpu.memory_space<vmem>>, vector<16xf32>,
        %mul3A_297 = arith.mulf %get3A_296, %get3A_44 : vector<16xf32>
        %get3A_298 = arith.index_cast %add3A_269 : i32 to index
        %get3A_299 = arith.constant 112 : index
        %get3A_300 = tpu.vector_load %arg6[%get3A_298, %get3A_299] {strides = array<i32>} : memref<128x128xf32, #tpu.memory_space<vmem>>, vector<16xf32>,
        %mul3A_301 = arith.mulf %get3A_300, %get3A_46 : vector<16xf32>
        %add3A_302 = arith.addf %mul3A_273, %mul3A_277 : vector<16xf32>
        %add3A_303 = arith.addf %mul3A_281, %mul3A_285 : vector<16xf32>
        %add3A_304 = arith.addf %mul3A_289, %mul3A_293 : vector<16xf32>
        %add3A_305 = arith.addf %mul3A_297, %mul3A_301 : vector<16xf32>
        %add3A_306 = arith.addf %add3A_302, %add3A_303 : vector<16xf32>
        %add3A_307 = arith.addf %add3A_304, %add3A_305 : vector<16xf32>
        %add3A_308 = arith.addf %add3A_306, %add3A_307 : vector<16xf32>
        %swap3A_309 = arith.index_cast %scan3A_266 : i32 to index
        %swap3A_310 = arith.constant 0 : index
        %swap3A_311 = tpu.vector_load %arg9[%swap3A_309, %swap3A_310] {strides = array<i32>} : memref<16x17xf32, #tpu.memory_space<vmem>>, vector<16xf32>,
        tpu.vector_store %arg9[%swap3A_309, %swap3A_310], %add3A_308 {strides = array<i32>} : memref<16x17xf32, #tpu.memory_space<vmem>>, vector<16xf32>,
        %scan3A_312 = arith.constant 0 : i32
        %scan3A_313 = arith.constant 3 : i32
        %scan3A_314 = arith.addi %scan3A_169, %scan3A_313 : i32
        %mul3A_315 = arith.constant 16 : i32
        %mul3A_316 = arith.muli %scan3A_87, %mul3A_315 : i32
        %add3A_317 = arith.addi %mul3A_316, %scan3A_314 : i32
        %get3A_318 = arith.index_cast %add3A_317 : i32 to index
        %get3A_319 = arith.constant 0 : index
        %get3A_320 = tpu.vector_load %arg6[%get3A_318, %get3A_319] {strides = array<i32>} : memref<128x128xf32, #tpu.memory_space<vmem>>, vector<16xf32>,
        %mul3A_321 = arith.mulf %get3A_320, %get3A_32 : vector<16xf32>
        %get3A_322 = arith.index_cast %add3A_317 : i32 to index
        %get3A_323 = arith.constant 16 : index
        %get3A_324 = tpu.vector_load %arg6[%get3A_322, %get3A_323] {strides = array<i32>} : memref<128x128xf32, #tpu.memory_space<vmem>>, vector<16xf32>,
        %mul3A_325 = arith.mulf %get3A_324, %get3A_34 : vector<16xf32>
        %get3A_326 = arith.index_cast %add3A_317 : i32 to index
        %get3A_327 = arith.constant 32 : index
        %get3A_328 = tpu.vector_load %arg6[%get3A_326, %get3A_327] {strides = array<i32>} : memref<128x128xf32, #tpu.memory_space<vmem>>, vector<16xf32>,
        %mul3A_329 = arith.mulf %get3A_328, %get3A_36 : vector<16xf32>
        %get3A_330 = arith.index_cast %add3A_317 : i32 to index
        %get3A_331 = arith.constant 48 : index
        %get3A_332 = tpu.vector_load %arg6[%get3A_330, %get3A_331] {strides = array<i32>} : memref<128x128xf32, #tpu.memory_space<vmem>>, vector<16xf32>,
        %mul3A_333 = arith.mulf %get3A_332, %get3A_38 : vector<16xf32>
        %get3A_334 = arith.index_cast %add3A_317 : i32 to index
        %get3A_335 = arith.constant 64 : index
        %get3A_336 = tpu.vector_load %arg6[%get3A_334, %get3A_335] {strides = array<i32>} : memref<128x128xf32, #tpu.memory_space<vmem>>, vector<16xf32>,
        %mul3A_337 = arith.mulf %get3A_336, %get3A_40 : vector<16xf32>
        %get3A_338 = arith.index_cast %add3A_317 : i32 to index
        %get3A_339 = arith.constant 80 : index
        %get3A_340 = tpu.vector_load %arg6[%get3A_338, %get3A_339] {strides = array<i32>} : memref<128x128xf32, #tpu.memory_space<vmem>>, vector<16xf32>,
        %mul3A_341 = arith.mulf %get3A_340, %get3A_42 : vector<16xf32>
        %get3A_342 = arith.index_cast %add3A_317 : i32 to index
        %get3A_343 = arith.constant 96 : index
        %get3A_344 = tpu.vector_load %arg6[%get3A_342, %get3A_343] {strides = array<i32>} : memref<128x128xf32, #tpu.memory_space<vmem>>, vector<16xf32>,
        %mul3A_345 = arith.mulf %get3A_344, %get3A_44 : vector<16xf32>
        %get3A_346 = arith.index_cast %add3A_317 : i32 to index
        %get3A_347 = arith.constant 112 : index
        %get3A_348 = tpu.vector_load %arg6[%get3A_346, %get3A_347] {strides = array<i32>} : memref<128x128xf32, #tpu.memory_space<vmem>>, vector<16xf32>,
        %mul3A_349 = arith.mulf %get3A_348, %get3A_46 : vector<16xf32>
        %add3A_350 = arith.addf %mul3A_321, %mul3A_325 : vector<16xf32>
        %add3A_351 = arith.addf %mul3A_329, %mul3A_333 : vector<16xf32>
        %add3A_352 = arith.addf %mul3A_337, %mul3A_341 : vector<16xf32>
        %add3A_353 = arith.addf %mul3A_345, %mul3A_349 : vector<16xf32>
        %add3A_354 = arith.addf %add3A_350, %add3A_351 : vector<16xf32>
        %add3A_355 = arith.addf %add3A_352, %add3A_353 : vector<16xf32>
        %add3A_356 = arith.addf %add3A_354, %add3A_355 : vector<16xf32>
        %swap3A_357 = arith.index_cast %scan3A_314 : i32 to index
        %swap3A_358 = arith.constant 0 : index
        %swap3A_359 = tpu.vector_load %arg9[%swap3A_357, %swap3A_358] {strides = array<i32>} : memref<16x17xf32, #tpu.memory_space<vmem>>, vector<16xf32>,
        tpu.vector_store %arg9[%swap3A_357, %swap3A_358], %add3A_356 {strides = array<i32>} : memref<16x17xf32, #tpu.memory_space<vmem>>, vector<16xf32>,
        %scan3A_360 = arith.constant 0 : i32
        scf.yield %scan3A_360 : i32
      }
      %scan3A_95 = arith.constant 16 : i32
      %broadcast_in_dim3A = arith.constant 0 : i32
      %broadcast_in_dim3A_96 = vector.broadcast %broadcast_in_dim3A : i32 to vector<16xi32>
      %gather3A = tpu.vector_load_idx %arg9[%iota3A, %broadcast_in_dim3A_96] : memref<16x17xf32, #tpu.memory_space<vmem>>[vector<16xi32>, vector<16xi32>], vector<16xf32>,
      %broadcast_in_dim3A_97 = arith.constant 1 : i32
      %broadcast_in_dim3A_98 = vector.broadcast %broadcast_in_dim3A_97 : i32 to vector<16xi32>
      %gather3A_99 = tpu.vector_load_idx %arg9[%iota3A, %broadcast_in_dim3A_98] : memref<16x17xf32, #tpu.memory_space<vmem>>[vector<16xi32>, vector<16xi32>], vector<16xf32>,
      %broadcast_in_dim3A_100 = arith.constant 2 : i32
      %broadcast_in_dim3A_101 = vector.broadcast %broadcast_in_dim3A_100 : i32 to vector<16xi32>
      %gather3A_102 = tpu.vector_load_idx %arg9[%iota3A, %broadcast_in_dim3A_101] : memref<16x17xf32, #tpu.memory_space<vmem>>[vector<16xi32>, vector<16xi32>], vector<16xf32>,
      %broadcast_in_dim3A_103 = arith.constant 3 : i32
      %broadcast_in_dim3A_104 = vector.broadcast %broadcast_in_dim3A_103 : i32 to vector<16xi32>
      %gather3A_105 = tpu.vector_load_idx %arg9[%iota3A, %broadcast_in_dim3A_104] : memref<16x17xf32, #tpu.memory_space<vmem>>[vector<16xi32>, vector<16xi32>], vector<16xf32>,
      %broadcast_in_dim3A_106 = arith.constant 4 : i32
      %broadcast_in_dim3A_107 = vector.broadcast %broadcast_in_dim3A_106 : i32 to vector<16xi32>
      %gather3A_108 = tpu.vector_load_idx %arg9[%iota3A, %broadcast_in_dim3A_107] : memref<16x17xf32, #tpu.memory_space<vmem>>[vector<16xi32>, vector<16xi32>], vector<16xf32>,
      %broadcast_in_dim3A_109 = arith.constant 5 : i32
      %broadcast_in_dim3A_110 = vector.broadcast %broadcast_in_dim3A_109 : i32 to vector<16xi32>
      %gather3A_111 = tpu.vector_load_idx %arg9[%iota3A, %broadcast_in_dim3A_110] : memref<16x17xf32, #tpu.memory_space<vmem>>[vector<16xi32>, vector<16xi32>], vector<16xf32>,
      %broadcast_in_dim3A_112 = arith.constant 6 : i32
      %broadcast_in_dim3A_113 = vector.broadcast %broadcast_in_dim3A_112 : i32 to vector<16xi32>
      %gather3A_114 = tpu.vector_load_idx %arg9[%iota3A, %broadcast_in_dim3A_113] : memref<16x17xf32, #tpu.memory_space<vmem>>[vector<16xi32>, vector<16xi32>], vector<16xf32>,
      %broadcast_in_dim3A_115 = arith.constant 7 : i32
      %broadcast_in_dim3A_116 = vector.broadcast %broadcast_in_dim3A_115 : i32 to vector<16xi32>
      %gather3A_117 = tpu.vector_load_idx %arg9[%iota3A, %broadcast_in_dim3A_116] : memref<16x17xf32, #tpu.memory_space<vmem>>[vector<16xi32>, vector<16xi32>], vector<16xf32>,
      %broadcast_in_dim3A_118 = arith.constant 8 : i32
      %broadcast_in_dim3A_119 = vector.broadcast %broadcast_in_dim3A_118 : i32 to vector<16xi32>
      %gather3A_120 = tpu.vector_load_idx %arg9[%iota3A, %broadcast_in_dim3A_119] : memref<16x17xf32, #tpu.memory_space<vmem>>[vector<16xi32>, vector<16xi32>], vector<16xf32>,
      %broadcast_in_dim3A_121 = arith.constant 9 : i32
      %broadcast_in_dim3A_122 = vector.broadcast %broadcast_in_dim3A_121 : i32 to vector<16xi32>
      %gather3A_123 = tpu.vector_load_idx %arg9[%iota3A, %broadcast_in_dim3A_122] : memref<16x17xf32, #tpu.memory_space<vmem>>[vector<16xi32>, vector<16xi32>], vector<16xf32>,
      %broadcast_in_dim3A_124 = arith.constant 10 : i32
      %broadcast_in_dim3A_125 = vector.broadcast %broadcast_in_dim3A_124 : i32 to vector<16xi32>
      %gather3A_126 = tpu.vector_load_idx %arg9[%iota3A, %broadcast_in_dim3A_125] : memref<16x17xf32, #tpu.memory_space<vmem>>[vector<16xi32>, vector<16xi32>], vector<16xf32>,
      %broadcast_in_dim3A_127 = arith.constant 11 : i32
      %broadcast_in_dim3A_128 = vector.broadcast %broadcast_in_dim3A_127 : i32 to vector<16xi32>
      %gather3A_129 = tpu.vector_load_idx %arg9[%iota3A, %broadcast_in_dim3A_128] : memref<16x17xf32, #tpu.memory_space<vmem>>[vector<16xi32>, vector<16xi32>], vector<16xf32>,
      %broadcast_in_dim3A_130 = arith.constant 12 : i32
      %broadcast_in_dim3A_131 = vector.broadcast %broadcast_in_dim3A_130 : i32 to vector<16xi32>
      %gather3A_132 = tpu.vector_load_idx %arg9[%iota3A, %broadcast_in_dim3A_131] : memref<16x17xf32, #tpu.memory_space<vmem>>[vector<16xi32>, vector<16xi32>], vector<16xf32>,
      %broadcast_in_dim3A_133 = arith.constant 13 : i32
      %broadcast_in_dim3A_134 = vector.broadcast %broadcast_in_dim3A_133 : i32 to vector<16xi32>
      %gather3A_135 = tpu.vector_load_idx %arg9[%iota3A, %broadcast_in_dim3A_134] : memref<16x17xf32, #tpu.memory_space<vmem>>[vector<16xi32>, vector<16xi32>], vector<16xf32>,
      %broadcast_in_dim3A_136 = arith.constant 14 : i32
      %broadcast_in_dim3A_137 = vector.broadcast %broadcast_in_dim3A_136 : i32 to vector<16xi32>
      %gather3A_138 = tpu.vector_load_idx %arg9[%iota3A, %broadcast_in_dim3A_137] : memref<16x17xf32, #tpu.memory_space<vmem>>[vector<16xi32>, vector<16xi32>], vector<16xf32>,
      %broadcast_in_dim3A_139 = arith.constant 15 : i32
      %broadcast_in_dim3A_140 = vector.broadcast %broadcast_in_dim3A_139 : i32 to vector<16xi32>
      %gather3A_141 = tpu.vector_load_idx %arg9[%iota3A, %broadcast_in_dim3A_140] : memref<16x17xf32, #tpu.memory_space<vmem>>[vector<16xi32>, vector<16xi32>], vector<16xf32>,
      %add3A_142 = arith.addf %gather3A, %gather3A_99 : vector<16xf32>
      %add3A_143 = arith.addf %gather3A_102, %gather3A_105 : vector<16xf32>
      %add3A_144 = arith.addf %gather3A_108, %gather3A_111 : vector<16xf32>
      %add3A_145 = arith.addf %gather3A_114, %gather3A_117 : vector<16xf32>
      %add3A_146 = arith.addf %gather3A_120, %gather3A_123 : vector<16xf32>
      %add3A_147 = arith.addf %gather3A_126, %gather3A_129 : vector<16xf32>
      %add3A_148 = arith.addf %gather3A_132, %gather3A_135 : vector<16xf32>
      %add3A_149 = arith.addf %gather3A_138, %gather3A_141 : vector<16xf32>
      %add3A_150 = arith.addf %add3A_142, %add3A_143 : vector<16xf32>
      %add3A_151 = arith.addf %add3A_144, %add3A_145 : vector<16xf32>
      %add3A_152 = arith.addf %add3A_146, %add3A_147 : vector<16xf32>
      %add3A_153 = arith.addf %add3A_148, %add3A_149 : vector<16xf32>
      %add3A_154 = arith.addf %add3A_150, %add3A_151 : vector<16xf32>
      %add3A_155 = arith.addf %add3A_152, %add3A_153 : vector<16xf32>
      %add3A_156 = arith.addf %add3A_154, %add3A_155 : vector<16xf32>
      %add3A_157 = arith.addf %get3A_48, %add3A_156 : vector<16xf32>
      %neg3A = arith.constant 0.000000e+00 : f32
      %neg3A_158 = vector.broadcast %neg3A : f32 to vector<16xf32>
      %neg3A_159 = arith.subf %neg3A_158, %add3A_157 : vector<16xf32>
      %exp3A = math.exp %neg3A_159 : vector<16xf32>
      %add3A_160 = arith.constant 1.000000e+00 : f32
      %add3A_161 = vector.broadcast %add3A_160 : f32 to vector<16xf32>
      %add3A_162 = arith.addf %add3A_161, %exp3A : vector<16xf32>
      %div3A = arith.constant 1.000000e+00 : f32
      %div3A_163 = vector.broadcast %div3A : f32 to vector<16xf32>
      %div3A_164 = arith.divf %div3A_163, %add3A_162 : vector<16xf32>
      %mul3A_165 = arith.constant 16 : i32
      %mul3A_166 = arith.muli %scan3A_87, %mul3A_165 : i32
      %swap3A = arith.index_cast %mul3A_166 : i32 to index
      %swap3A_167 = tpu.vector_load %arg10[%swap3A] {strides = array<i32>} : memref<128xf32, #tpu.memory_space<vmem>>, vector<16xf32>,
      tpu.vector_store %arg10[%swap3A], %div3A_164 {strides = array<i32>} : memref<128xf32, #tpu.memory_space<vmem>>, vector<16xf32>,
      %scan3A_168 = arith.constant 0 : i32
      scf.yield %scan3A_168 : i32
    }
    %scan3A_86 = arith.constant 4 : i32
    "tpu.region"() ({
      %run_scoped3A = tpu.sem_alloc : memref<!tpu.dma_semaphore, #tpu.memory_space<semaphore_mem>>
      %dma_start3A_87 = tpu.memref_slice %arg5[%mul3A_2] : memref<4096xf32, #tpu.memory_space<hbm>> -> memref<128xf32, #tpu.memory_space<hbm>>
      %dma_start3A_88 = tpu.memref_slice %arg5[%mul3A_2] : memref<4096xf32, #tpu.memory_space<hbm>> -> memref<128xf32, #tpu.memory_space<hbm>>
      tpu.enqueue_dma source(%arg10 : memref<128xf32, #tpu.memory_space<vmem>>) target(%dma_start3A_88 : memref<128xf32, #tpu.memory_space<hbm>>) target_semaphore(%run_scoped3A : memref<!tpu.dma_semaphore, #tpu.memory_space<semaphore_mem>>)
      %dma_wait3A_89 = tpu.memref_slice %arg5[%mul3A_2] : memref<4096xf32, #tpu.memory_space<hbm>> -> memref<128xf32, #tpu.memory_space<hbm>>
      %dma_wait3A_90 = tpu.memref_slice %arg5[%mul3A_2] : memref<4096xf32, #tpu.memory_space<hbm>> -> memref<128xf32, #tpu.memory_space<hbm>>
      tpu.wait_dma2 semaphore(%run_scoped3A : memref<!tpu.dma_semaphore, #tpu.memory_space<semaphore_mem>>) src(%arg10 : memref<128xf32, #tpu.memory_space<vmem>>) dst(%dma_wait3A_90 : memref<128xf32, #tpu.memory_space<hbm>>)
      tpu.yield
    }) : () -> ()
    return
  }
}

</mosaic_0001>

<sc_bundles>
// kernel: kernel.3.cloned.1.call-start
scs
__scs_entry_jumppad:
0x0: {  	(pc) =	sbr.rel $0x88, $3  }
0x1: {  	(tag) =	ssettag $0x0;
	lr =	simm.s32 $0x1  }
0x2: {  	[smem:$0x3F9E] =	sst lr;
	_ =	strace $0xD0000000  }
0x3: {  	_ = 	snop  }
0x4: {  	_ = 	snop  }
0x5: {  	_ = 	snop  }
0x6: {  	_ = 	snop  }
0x7: {  	_ = 	snop  }
__scs_overlays_trampoline_lowered:
0x8: {  	[smem:$0x3FAD] =	sst s0  }
0x9: {  	[smem:$0x3FAE] =	sst s1  }
0xa: {  	[smem:$0x3FAF] =	sst s2  }
0xb: {  	[smem:$0x3FB0] =	sst s3  }
0xc: {  	[smem:$0x3FB1] =	sst s4  }
0xd: {  	[smem:$0x3FB2] =	sst s5  }
0xe: {  	[smem:$0x3FB3] =	sst s6  }
0xf: {  	[smem:$0x3FB4] =	sst s7  }
0x10: {  	[smem:$0x3FB5] =	sst s8  }
0x11: {  	[smem:$0x3FB6] =	sst s9;
	s0 =	simm.s32 @!p0 $0x0  }
0x12: {  	s1 =	sld [smem:$0x3F9C];
	s0 =	simm.s32 @p0 $0x1  }
0x13: {  	[smem:$0x3FB7] =	sst s0;
	s0 =	simm.s32 @!p1 $0x0  }
0x14: {  	s2 =	sld [smem:$0x3F9B];
	s0 =	simm.s32 @p1 $0x1  }
0x15: {  	[smem:$0x3FB8] =	sst s0;
	s0 =	simm.s32 @!p2 $0x0  }
0x16: {  	s3 =	sld [smem:$0x3FDB];
	s0 =	simm.s32 @p2 $0x1  }
0x17: {  	s4 =	simm.s32 $0x1BF5;
	[smem:$0x3FBA] =	sst s0  }
0x18: {  	s0 =	sld [smem:$0x3F9D];
	_ =	swait.ge [sflag:s4], $0x0  }
0x19: {  	s7 =	sld [smem:$0x3F9E]  }
0x1a: {  	s8 =	sadd.s32 $0xFFFFE003, lr  }
0x1b: {  	s9 =	sadd.s32 $0xFFFFFEF7, lr;
	s5 =	simm.s32 $0xFFFFFFFF;
	p2 =	slt.u32 s8, $0xFFFFF086  }
0x1c: {  	p1 =	slt.u32 s9, $0xF7A;
	s5 =	simm.s32 @!p2 $0x0  }
0x1d: {  	s5 =	simm.s32 @p1 $0x1;
	p0 =	seq.s32 s7, s2  }
0x1e: {  	s7 =	smul.u32 @!p0 $0xF7A, s2;
	p2 =	seq.s32 @!p0 s5, $0x0  }
0x1f: {  	s9 =	smul.u32 $0xF7A, s1;
	s8 =	simm.s32 @!p0 $0x1BF5;
	p2 =	por !p2, p0  }
0x20: {  	[sflag:s8] =	ssyncset.s32 @!p0 $0xFFFFF086;
	s6 =	sadd.s32 @!p0 s3, s7;
	s7 =	simm.s32 @!p0 $0x108  }
0x21: {  	s3 =	sadd.s32 s3, s9;
	s6 =	sadd.s32 @!p0 $0x88, s6;
	s7 =	simm.s32 @p2 $0x1082  }
0x22: {  	[simem:s7], [sflag:s8] =	dma.local @!p0 [hbm:s6], $0xF7A  }
0x23: {  	s9 =	sor.u32 $0xD0000000, s2;
	s6 =	simm.s32 $0x108;
	_ =	swait.ge @!p0 [sflag:s8], $0x0  }
0x24: {  	s3 =	sadd.s32 $0x88, s3;
	s6 =	simm.s32 @!p1 $0x1082;
	[sflag:s4] =	ssyncset.s32 $0xFFFFF086  }
0x25: {  	[simem:s6], [sflag:s4] =	dma.local [hbm:s3], $0xF7A  }
0x26: {  	[smem:$0x3F9E] =	sst s1;
	(tag) =	ssettag s2;
	_ =	strace s9  }
0x27: {  	s1 =	sld [smem:$0x3FAE]  }
0x28: {  	s2 =	sld [smem:$0x3FAF]  }
0x29: {  	s4 =	sld [smem:$0x3FB1]  }
0x2a: {  	p0 =	seq.s32 s5, $0x0;
	s5 =	sld [smem:$0x3FB2]  }
0x2b: {  	s6 =	sld [smem:$0x3FB3]  }
0x2c: {  	s7 =	sld [smem:$0x3FB4]  }
0x2d: {  	s3 =	simm.s32 $0x108;
	s8 =	sld [smem:$0x3FB5]  }
0x2e: {  	s3 =	simm.s32 @!p0 $0x1082;
	s9 =	sld [smem:$0x3FB6]  }
0x2f: {  	lr =	sadd.s32 s0, s3;
	s0 =	sld [smem:$0x3FAD]  }
0x30: {  	s3 =	sld [smem:$0x3FB0]  }
0x31: {  	[smem:$0x3FB9] =	sst s10  }
0x32: {  	s10 =	sld [smem:$0x3FB7];
	_ =	sdelay $0x3  }
0x33: {  	p0 =	seq.s32 s10, $0x1;
	s10 =	sld [smem:$0x3FB9];
	_ =	sdelay $0x3  }
0x34: {  	[smem:$0x3FB9] =	sst s10  }
0x35: {  	s10 =	sld [smem:$0x3FB8];
	_ =	sdelay $0x3  }
0x36: {  	p1 =	seq.s32 s10, $0x1;
	s10 =	sld [smem:$0x3FB9];
	_ =	sdelay $0x3  }
0x37: {  	[smem:$0x3FB9] =	sst s10  }
0x38: {  	s10 =	sld [smem:$0x3FBA]  }
0x39: {  	_ = 	snop;
	(pc) =	sbr.ind lr, $3  }
0x3a: {  	_ = 	snop  }
0x3b: {  	_ = 	snop  }
0x3c: {  	p2 =	seq.s32 s10, $0x1;
	s10 =	sld [smem:$0x3FB9]  }
0x3d: {  	_ =	shalt  }
0x3e: {  	_ =	shalt  }
0x3f: {  	_ =	shalt  }
0x40: {  	_ =	shalt  }
0x41: {  	_ =	shalt  }
0x42: {  	_ =	shalt  }
0x43: {  	_ =	shalt  }
0x44: {  	_ =	shalt  }
0x45: {  	_ =	shalt  }
0x46: {  	_ =	shalt  }
0x47: {  	_ =	shalt  }
0x48: {  	_ =	shalt  }
0x49: {  	_ =	shalt  }
0x4a: {  	_ =	shalt  }
0x4b: {  	_ =	shalt  }
0x4c: {  	_ =	shalt  }
0x4d: {  	_ =	shalt  }
0x4e: {  	_ =	shalt  }
0x4f: {  	_ =	shalt  }
0x50: {  	_ =	shalt  }
0x51: {  	_ =	shalt  }
0x52: {  	_ =	shalt  }
0x53: {  	_ =	shalt  }
0x54: {  	_ =	shalt  }
0x55: {  	_ =	shalt  }
0x56: {  	_ =	shalt  }
0x57: {  	_ =	shalt  }
0x58: {  	_ =	shalt  }
0x59: {  	_ =	shalt  }
0x5a: {  	_ =	shalt  }
0x5b: {  	_ =	shalt  }
0x5c: {  	_ =	shalt  }
0x5d: {  	_ =	shalt  }
0x5e: {  	_ =	shalt  }
0x5f: {  	_ =	shalt  }
0x60: {  	_ =	shalt  }
0x61: {  	_ =	shalt  }
0x62: {  	_ =	shalt  }
0x63: {  	_ =	shalt  }
0x64: {  	_ =	shalt  }
0x65: {  	_ =	shalt  }
0x66: {  	_ =	shalt  }
0x67: {  	_ =	shalt  }
0x68: {  	_ =	shalt  }
0x69: {  	_ =	shalt  }
0x6a: {  	_ =	shalt  }
0x6b: {  	_ =	shalt  }
0x6c: {  	_ =	shalt  }
0x6d: {  	_ =	shalt  }
0x6e: {  	_ =	shalt  }
0x6f: {  	_ =	shalt  }
0x70: {  	_ =	shalt  }
0x71: {  	_ =	shalt  }
0x72: {  	_ =	shalt  }
0x73: {  	_ =	shalt  }
0x74: {  	_ =	shalt  }
0x75: {  	_ =	shalt  }
0x76: {  	_ =	shalt  }
0x77: {  	_ =	shalt  }
0x78: {  	_ =	shalt  }
0x79: {  	_ =	shalt  }
0x7a: {  	_ =	shalt  }
0x7b: {  	_ =	shalt  }
0x7c: {  	_ =	shalt  }
0x7d: {  	_ =	shalt  }
0x7e: {  	_ =	shalt  }
0x7f: {  	_ =	shalt  }
0x80: {  	_ =	shalt  }
0x81: {  	_ =	shalt  }
0x82: {  	_ =	shalt  }
0x83: {  	_ =	shalt  }
0x84: {  	_ =	shalt  }
0x85: {  	_ =	shalt  }
0x86: {  	_ =	shalt  }
0x87: {  	_ =	shalt  }
.Lfunc_end0:
.L_simem_size_0:
called_computation_lowered:
.L_overlay_start_0:
0x88: {  	s2 =	sld [smem:$0x3FD9]  }
0x89: {  	s3 =	sld [smem:$0x3FFE];
	_ =	sdelay $0x1  }
0x8a: {  	s1 =	srdreg.scid  }
0x8b: {  	s0 =	sand.u32 $0x1, s1  }
0x8c: {  	s17 =	sshll.u32 s0, $0xA;
	s2 =	sadd.s32 s3, s2  }
0x8d: {  	s2 =	sadd.s32 s2, s17  }
0x8e: {  	[smem:$0x3FC5] =	sst s2  }
0x8f: {  	_ = 	snop  }
0x90: {  	s2 =	sld [smem:$0x3FC9]  }
0x91: {  	s18 =	sld [smem:$0x3FC8]  }
0x92: {  	s4 =	sld [smem:$0x3FD0];
	(tm) =	ssettm $0x1  }
0x93: {  	s5 =	sld [smem:$0x3FFB];
	_ =	sdelay $0x3  }
0x94: {  	_ =	strace s5  }
0x95: {  	s5 =	sld [smem:$0x3FFC];
	_ =	sdelay $0x3  }
0x96: {  	_ =	strace s5  }
0x97: {  	s5 =	sld [smem:$0x3FFD];
	_ =	sdelay $0x3  }
0x98: {  	_ =	strace s5  }
0x99: {  	_ =	strace $0x8FFFFFFF  }
0x9a: {  	s19 =	sld [smem:$0x3FDB];
	_ =	sdelay $0x1  }
0x9b: {  	s6 =	simm.s32 $_scs_section_size  }
0x9c: {  	s7 =	simm.s32 $_size__tile_overlayer_lowered;
	s8 =	simm.s32 $_tile_overlayer_lowered  }
0x9d: {  	s22 =	simm.s32 $0x1BFF;
	s21 =	sshll.u32 s8, $0x1;
	s5 =	sadd.s32 s6, s19  }
0x9e: {  	s9 =	simm.s32 $0x0;
	s20 =	sshll.u32 s7, $0x1;
	s7 =	sadd.s32 s21, s5  }
0x9f: {  	[timem:s9], [sflag:s22] =	dma.local [hbm:s7], s20  }
0xa0: {  	_ =	swait.ge [sflag:s22], s20  }
0xa1: {  	s6 =	ssub.s32 $0x0, s20;
	[sflag:s22] =	ssyncset.done $0x0  }
0xa2: {  	[sflag:s22] =	ssyncadd.s32 s6;
	_ =	sdelay $0x1  }
0xa3: {  	s23 =	simm.s32 $0x1B8B  }
0xa4: {  	_ =	swait.ge [sflag:s23], $0x1  }
0xa5: {  	[sflag:s23] =	ssyncset.done $0x0  }
0xa6: {  	s25 =	simm.s32 $0x1B8E;
	s24 =	sld [smem:$0x3FFE];
	[sflag:s23] =	ssyncadd.s32 $0xFFFFFFFF  }
0xa7: {  	s26 =	simm.s32 $execute0_lowered;
	[smem:$0x3FD2] =	sst s25  }
0xa8: {  	s7 =	sshll.u32 s26, $0x1;
	_ =	strace $0x80000046;
	[dreg:$0x1] =	wrdreg $0xFFFFFFFF  }
0xa9: {  	s28 =	simm.s32 $_size_execute0_lowered;
	s5 =	sadd.s32 s5, s7;
	[dreg:$0x0] =	wrdreg $0x0  }
0xaa: {  	s7 =	sshll.u32 s28, $0x1;
	[dreg:$0x2] =	wrdreg s5  }
0xab: {  	[dreg:$0x3] =	wrdreg s7  }
0xac: {  	[dreg:$0x4] =	wrdreg $0xC0  }
0xad: {  	_ =	task [dreg:s9], $0x5FFFF  }
0xae: {  	[dreg:$0x1] =	wrdreg $0xFFFFFFFF  }
0xaf: {  	[dreg:$0x0] =	wrdreg $0x60  }
0xb0: {  	[dreg:$0x2] =	wrdreg s2  }
0xb1: {  	[dreg:$0x3] =	wrdreg s18  }
0xb2: {  	[dreg:$0x4] =	wrdreg s24  }
0xb3: {  	[dreg:$0x5] =	wrdreg s4  }
0xb4: {  	[dreg:$0x6] =	wrdreg $0x9  }
0xb5: {  	_ =	task.clear_ibuf [dreg:s9], $0x7FFFF;
	_ =	strace $0x90000046  }
0xb6: {  	s29 =	simm.s32 $0x9;
	_ =	strace $0x80000048  }
0xb7: {  	_ =	swait.ge [sflag:s29], $0x1  }
0xb8: {  	[sflag:s29] =	ssyncadd.s32 $0xFFFFFFFF  }
0xb9: {  	_ =	strace $0x90000048  }
0xba: {  	_ =	sfence  }
0xbb: {  	s30 =	sld [smem:$0x0];
	_ =	sdelay $0x2  }
0xbc: {  	s31 =	sshll.u32 s1, $0xD;
	s1 =	sshrl.u32 s1, $0x2  }
0xbd: {  	s3 =	sand.u32 $0x4000, s31;
	s1 =	sadd.s32 s1, s30  }
0xbe: {  	s0 =	sor.u32 s3, s0;
	s1 =	sshll.u32 s1, $0x11  }
0xbf: {  	s0 =	sor.u32 s1, s0  }
0xc0: {  	s0 =	sadd.s32 $0x8F2B, s0  }
0xc1: {  	[sflag:s0] =	ssyncadd.remote.s32 $0x1  }
0xc2: {  	_ =	sfence.sel $0xFFFF  }
0xc3: {  	[dreg:$0x0] =	wrdreg $0xFFFFFFFF;
	(pc) =	sbr.abs _section_cstart, $3  }
0xc4: {  	[dreg:$0x1] =	wrdreg $0xFFFFFFFF  }
0xc5: {  	_ =	task.clear_ibuf [dreg:s9], $0x2FFFF;
	_ =	strace $0x9FFFFFFF  }
0xc6: {  	(tm) =	ssettm $0x7FFFFFFF  }
0xc7: {  	_ =	shalt  }
tec
execute0_lowered:
.L_overlay_start_1:
0x0: {  	(tag) =	ssettag $0x1  }
0x1: {  	s5 =	rddreg [dreg:$0x0]  }
0x2: {  	s1 =	rddreg [dreg:$0x1]  }
0x3: {  	s4 =	rddreg [dreg:$0x2]  }
0x4: {  	s2 =	srdreg.scid;
	s0 =	stileid.u32  }
0x5: {  	s7 =	rddreg [dreg:$0x3];
	s3 =	simm.s32 $0x0;
	s12 =	simm.s32 $0x4000  }
0x6: {  	s13 =	simm.s32 $0x3;
	s14 =	simm.s32 $0x4080;
	s15 =	simm.s32 $0x1  }
0x7: {  	s16 =	simm.s32 $0x4100;
	s17 =	simm.s32 $0x2;
	s18 =	simm.s32 $0x4900  }
0x8: {  	v0 =	vlaneseq.u32;
	s6 =	sand.u32 $0x1, s2;
	s8 =	sshll.u32 s0, $0x1;
	s2 =	rddreg [dreg:$0x4]  }
0x9: {  	s19 =	simm.s32 $0x0;
	[smem:$0x7FF] =	sst s3;
	v0 =	vmul.u32 $0x80, v0;
	s8 =	sor.u32 s6, s8  }
0xa: {  	s4 =	sadd.s32 $0x400, s4;
	s6 =	ssub.s32 $0x2, s6;
	s9 =	smul.u32 $0x320000, s8  }
0xb: {  	s10 =	sshrl.u32 s6, $0x1;
	s11 =	smul.u32 $0x64000, s8;
	s8 =	sshll.u32 s8, $0x4;
	v1 =	vor.u32 $0x1, v0;
	v2 =	vor.u32 $0x2, v0;
	v3 =	vor.u32 $0x3, v0  }
0xc: {  	_ =	strace $0x80000047;
	v4 =	vor.u32 $0x4, v0;
	v5 =	vor.u32 $0x5, v0;
	v6 =	vor.u32 $0x6, v0;
	s10 =	ssub.s32 s6, s10;
	s7 =	sadd.s32 s7, s8  }
0xd: {  	v7 =	vor.u32 $0x7, v0;
	v8 =	vor.u32 $0x8, v0;
	v9 =	vor.u32 $0x9, v0;
	s30 =	sshrl.u32 s9, $0x3;
	s31 =	sadd.s32 s11, s5;
	s8 =	smax.u32 s10, $0x1  }
0xe: {  	v10 =	vor.u32 $0xA, v0;
	v11 =	vor.u32 $0xB, v0;
	v12 =	vor.u32 $0xC, v0;
	s9 =	simm.s32 $0x80;
	s10 =	simm.s32 $0x6400;
	s6 =	sadd.s32 s5, s30  }
0xf: {  	v13 =	vor.u32 $0xD, v0;
	v14 =	vor.u32 $0xE, v0;
	v15 =	vor.u32 $0xF, v0;
	s11 =	simm.s32 $0x2000;
	s5 =	sadd.s32 $0x390, s31;
	s6 =	sadd.s32 $0x32390, s6  }
.LBB2_1:
0x10: {  	[tilespmem:s3], [sflag:$0x1] =	stream.strided.gather [hbm4b:s5+s9], $0x2000, s10, s9, $0x38;
	[tilespmem:$0x4980] =	vst v63  }
0x11: {  	_ = 	snop  }
0x12: {  	[tilespmem:s11], [sflag:$0x2] =	stream.strided.gather [hbm4b:s6+s9], $0x2000, s10, s9, $0x38;
	[tilespmem:$0x4980] =	vst v63  }
0x13: {  	_ = 	snop  }
0x14: {  	[tilespmem:s12], [sflag:$0x3] =	stream.linear.gather [hbm4b:s1+s3], $0x80, $0x38;
	[tilespmem:$0x4980] =	vst v63  }
0x15: {  	_ =	swait.ge [sflag:s13], $0x80  }
0x16: {  	[sflag:s13] =	ssyncset.done $0x0  }
0x17: {  	[sflag:s13] =	ssyncadd.s32 $0xFFFFFF80  }
0x18: {  	[tilespmem:s14], [sflag:$0x3] =	stream.linear.gather [hbm4b:s4+s3], $0x80, $0x38;
	[tilespmem:$0x4980] =	vst v63  }
0x19: {  	_ =	swait.ge [sflag:s13], $0x80  }
0x1a: {  	[sflag:s13] =	ssyncset.done $0x0  }
0x1b: {  	[sflag:s13] =	ssyncadd.s32 $0xFFFFFF80  }
0x1c: {  	v16 =	vld [tilespmem:$0x4000]  }
0x1d: {  	v17 =	vld [tilespmem:$0x4010]  }
0x1e: {  	v18 =	vld [tilespmem:$0x4020]  }
0x1f: {  	v19 =	vld [tilespmem:$0x4030]  }
0x20: {  	v20 =	vld [tilespmem:$0x4040]  }
0x21: {  	v21 =	vld [tilespmem:$0x4050]  }
0x22: {  	v22 =	vld [tilespmem:$0x4060]  }
0x23: {  	v23 =	vld [tilespmem:$0x4070]  }
0x24: {  	v24 =	vld [tilespmem:$0x4080];
	_ =	swait.ge [sflag:s15], $0x2000  }
0x25: {  	[sflag:s15] =	ssyncset.done $0x0  }
0x26: {  	s20 =	simm.s32 $0x100;
	s21 =	simm.s32 $0x0;
	[sflag:s15] =	ssyncadd.s32 $0xFFFFE000  }
.LBB2_2:
0x27: {  	v25 =	vld [tilespmem:s20+$0xFFFFFF50]  }
0x28: {  	v26 =	vld [tilespmem:s20+$0xFFFFFF40]  }
0x29: {  	v27 =	vld [tilespmem:s20+$0xFFFFFF30]  }
0x2a: {  	v28 =	vld [tilespmem:s20+$0xFFFFFF00]  }
0x2b: {  	v29 =	vld [tilespmem:s20+$0xFFFFFF60]  }
0x2c: {  	v30 =	vld [tilespmem:s20+$0xFFFFFF70]  }
0x2d: {  	v31 =	vld [tilespmem:s20+$0xFFFFFF20]  }
0x2e: {  	v32 =	vld [tilespmem:s20+$0xFFFFFF10];
	_ =	sdelay $0x1  }
0x2f: {  	v26 =	vmul.f32 v26, v20;
	v25 =	vmul.f32 v25, v21  }
0x30: {  	v29 =	vmul.f32 v29, v22;
	v30 =	vmul.f32 v30, v23  }
0x31: {  	v28 =	vmul.f32 v28, v16;
	v31 =	vmul.f32 v31, v18  }
0x32: {  	v32 =	vmul.f32 v32, v17;
	v27 =	vmul.f32 v27, v19  }
0x33: {  	v25 =	vadd.f32 v25, v26;
	v26 =	vadd.f32 v30, v29  }
0x34: {  	v28 =	vadd.f32 v32, v28;
	v27 =	vadd.f32 v27, v31;
	_ =	sdelay $0x1  }
0x35: {  	v25 =	vadd.f32 v26, v25;
	v26 =	vadd.f32 v27, v28;
	_ =	sdelay $0x1  }
0x36: {  	v25 =	vadd.f32 v25, v26  }
0x37: {  	s22 =	simm.s32 $0x4200  }
0x38: {  	[tilespmem:s22+$0xFFFFFF00] =	vst v25  }
0x39: {  	v25 =	vld [tilespmem:s20+$0xFFFFFF80]  }
0x3a: {  	v26 =	vld [tilespmem:s20+$0xFFFFFF90]  }
0x3b: {  	v27 =	vld [tilespmem:s20+$0xFFFFFFA0]  }
0x3c: {  	v52 =	vld [tilespmem:s20+$0xFFFFFFB0]  }
0x3d: {  	v53 =	vld [tilespmem:s20+$0xFFFFFFC0]  }
0x3e: {  	v54 =	vld [tilespmem:s20+$0xFFFFFFF0]  }
0x3f: {  	v55 =	vld [tilespmem:s20+$0xFFFFFFE0]  }
0x40: {  	v56 =	vld [tilespmem:s20+$0xFFFFFFD0];
	_ =	sdelay $0x1  }
0x41: {  	v26 =	vmul.f32 v26, v17;
	v27 =	vmul.f32 v27, v18  }
0x42: {  	v28 =	vmul.f32 v52, v19;
	v29 =	vmul.f32 v53, v20  }
0x43: {  	v25 =	vmul.f32 v25, v16;
	v30 =	vmul.f32 v54, v23  }
0x44: {  	v32 =	vmul.f32 v56, v21;
	v31 =	vmul.f32 v55, v22  }
0x45: {  	v27 =	vadd.f32 v28, v27;
	v25 =	vadd.f32 v26, v25  }
0x46: {  	v26 =	vadd.f32 v32, v29;
	v57 =	vadd.f32 v30, v31;
	_ =	sdelay $0x1  }
0x47: {  	v25 =	vadd.f32 v27, v25;
	v26 =	vadd.f32 v57, v26;
	_ =	sdelay $0x1  }
0x48: {  	v25 =	vadd.f32 v26, v25;
	_ =	sdelay $0x1  }
0x49: {  	[tilespmem:s22+$0xFFFFFF80] =	vst v25  }
0x4a: {  	v25 =	vld [tilespmem:s20+$0x0]  }
0x4b: {  	v26 =	vld [tilespmem:s20+$0x50]  }
0x4c: {  	v27 =	vld [tilespmem:s20+$0x70]  }
0x4d: {  	v58 =	vld [tilespmem:s20+$0x40]  }
0x4e: {  	v59 =	vld [tilespmem:s20+$0x60]  }
0x4f: {  	v60 =	vld [tilespmem:s20+$0x10]  }
0x50: {  	v61 =	vld [tilespmem:s20+$0x20]  }
0x51: {  	v62 =	vld [tilespmem:s20+$0x30];
	_ =	sdelay $0x1  }
0x52: {  	v28 =	vmul.f32 v58, v20;
	v26 =	vmul.f32 v26, v21  }
0x53: {  	v29 =	vmul.f32 v59, v22;
	v27 =	vmul.f32 v27, v23  }
0x54: {  	v30 =	vmul.f32 v60, v17;
	v31 =	vmul.f32 v61, v18  }
0x55: {  	v25 =	vmul.f32 v25, v16;
	v32 =	vmul.f32 v62, v19  }
0x56: {  	v26 =	vadd.f32 v26, v28;
	v27 =	vadd.f32 v27, v29  }
0x57: {  	v25 =	vadd.f32 v30, v25;
	v63 =	vadd.f32 v32, v31;
	_ =	sdelay $0x1  }
0x58: {  	v26 =	vadd.f32 v27, v26;
	v25 =	vadd.f32 v63, v25  }
0x59: {  	s25 =	simm.s32 $0x0  }
0x5a: {  	s26 =	smov.u32 s20;
	s23 =	simm.s32 $0x4200;
	s24 =	smov.u32 s20;
	v25 =	vadd.f32 v26, v25  }
.LBB2_3:
0x5b: {  	s25 =	sadd.s32 $0x4, s25;
	s22 =	sadd.s32 $0x200, s22;
	s26 =	sadd.s32 $0x200, s26  }
0x5c: {  	p0 =	slt.u32 s25, $0xC;
	[tilespmem:s23+$0x0] =	vst v25  }
0x5d: {  	v25 =	vld [tilespmem:s24+$0x80]  }
0x5e: {  	v26 =	vld [tilespmem:s24+$0x90]  }
0x5f: {  	v27 =	vld [tilespmem:s24+$0xA0]  }
0x60: {  	v28 =	vld [tilespmem:s24+$0xC0]  }
0x61: {  	v29 =	vld [tilespmem:s24+$0xD0]  }
0x62: {  	v30 =	vld [tilespmem:s24+$0xE0]  }
0x63: {  	v26 =	vmul.f32 v26, v17;
	v31 =	vld [tilespmem:s24+$0xF0]  }
0x64: {  	v32 =	vld [tilespmem:s24+$0xB0];
	s24 =	smov.u32 s26  }
0x65: {  	v28 =	vmul.f32 v28, v20  }
0x66: {  	v29 =	vmul.f32 v29, v21  }
0x67: {  	v30 =	vmul.f32 v30, v22  }
0x68: {  	v25 =	vmul.f32 v25, v16;
	v31 =	vmul.f32 v31, v23;
	v28 =	vadd.f32 v29, v28  }
0x69: {  	v27 =	vmul.f32 v27, v18;
	v29 =	vmul.f32 v32, v19  }
0x6a: {  	v30 =	vadd.f32 v31, v30  }
0x6b: {  	v25 =	vadd.f32 v26, v25;
	v26 =	vadd.f32 v29, v27;
	_ =	sdelay $0x1  }
0x6c: {  	v25 =	vadd.f32 v26, v25;
	v26 =	vadd.f32 v30, v28;
	_ =	sdelay $0x1  }
0x6d: {  	v25 =	vadd.f32 v26, v25;
	_ =	sdelay $0x1  }
0x6e: {  	[tilespmem:s23+$0x80] =	vst v25;
	s23 =	smov.u32 s22;
	_ =	sdelay $0x1  }
0x6f: {  	v25 =	vld [tilespmem:s26+$0xFFFFFF50]  }
0x70: {  	v26 =	vld [tilespmem:s26+$0xFFFFFF40]  }
0x71: {  	v27 =	vld [tilespmem:s26+$0xFFFFFF30]  }
0x72: {  	v28 =	vld [tilespmem:s26+$0xFFFFFF00]  }
0x73: {  	v29 =	vld [tilespmem:s26+$0xFFFFFF60]  }
0x74: {  	v30 =	vld [tilespmem:s26+$0xFFFFFF70]  }
0x75: {  	v31 =	vld [tilespmem:s26+$0xFFFFFF20]  }
0x76: {  	v32 =	vld [tilespmem:s26+$0xFFFFFF10];
	_ =	sdelay $0x1  }
0x77: {  	v25 =	vmul.f32 v25, v21;
	v26 =	vmul.f32 v26, v20  }
0x78: {  	v29 =	vmul.f32 v29, v22;
	v30 =	vmul.f32 v30, v23  }
0x79: {  	v28 =	vmul.f32 v28, v16;
	v25 =	vadd.f32 v25, v26;
	v31 =	vmul.f32 v31, v18  }
0x7a: {  	v27 =	vmul.f32 v27, v19;
	v26 =	vmul.f32 v32, v17;
	v29 =	vadd.f32 v30, v29;
	_ =	sdelay $0x1  }
0x7b: {  	v27 =	vadd.f32 v27, v31;
	v26 =	vadd.f32 v26, v28  }
0x7c: {  	v25 =	vadd.f32 v29, v25  }
0x7d: {  	v26 =	vadd.f32 v27, v26;
	_ =	sdelay $0x1  }
0x7e: {  	v25 =	vadd.f32 v25, v26;
	_ =	sdelay $0x1  }
0x7f: {  	[tilespmem:s22+$0xFFFFFF00] =	vst v25  }
0x80: {  	v25 =	vld [tilespmem:s26+$0xFFFFFF80]  }
0x81: {  	v26 =	vld [tilespmem:s26+$0xFFFFFF90]  }
0x82: {  	v27 =	vld [tilespmem:s26+$0xFFFFFFA0]  }
0x83: {  	v28 =	vld [tilespmem:s26+$0xFFFFFFB0]  }
0x84: {  	v29 =	vld [tilespmem:s26+$0xFFFFFFC0]  }
0x85: {  	v30 =	vld [tilespmem:s26+$0xFFFFFFF0]  }
0x86: {  	v26 =	vmul.f32 v26, v17;
	v31 =	vld [tilespmem:s26+$0xFFFFFFE0]  }
0x87: {  	v32 =	vld [tilespmem:s26+$0xFFFFFFD0]  }
0x88: {  	v27 =	vmul.f32 v27, v18;
	v28 =	vmul.f32 v28, v19  }
0x89: {  	v29 =	vmul.f32 v29, v20  }
0x8a: {  	v27 =	vadd.f32 v28, v27  }
0x8b: {  	v25 =	vmul.f32 v25, v16;
	v28 =	vmul.f32 v30, v23  }
0x8c: {  	v31 =	vmul.f32 v31, v22;
	v30 =	vmul.f32 v32, v21  }
0x8d: {  	v25 =	vadd.f32 v26, v25  }
0x8e: {  	v28 =	vadd.f32 v28, v31;
	v26 =	vadd.f32 v30, v29;
	_ =	sdelay $0x1  }
0x8f: {  	v25 =	vadd.f32 v27, v25;
	v26 =	vadd.f32 v28, v26;
	_ =	sdelay $0x1  }
0x90: {  	v25 =	vadd.f32 v26, v25;
	_ =	sdelay $0x1  }
0x91: {  	[tilespmem:s22+$0xFFFFFF80] =	vst v25  }
0x92: {  	v25 =	vld [tilespmem:s26+$0x0]  }
0x93: {  	v26 =	vld [tilespmem:s26+$0x50]  }
0x94: {  	v27 =	vld [tilespmem:s26+$0x70]  }
0x95: {  	v28 =	vld [tilespmem:s26+$0x40]  }
0x96: {  	v29 =	vld [tilespmem:s26+$0x60]  }
0x97: {  	v30 =	vld [tilespmem:s26+$0x10];
	_ =	sdelay $0x1  }
0x98: {  	v31 =	vld [tilespmem:s26+$0x20]  }
0x99: {  	v26 =	vmul.f32 v26, v21;
	v32 =	vld [tilespmem:s26+$0x30];
	v28 =	vmul.f32 v28, v20  }
0x9a: {  	v27 =	vmul.f32 v27, v23;
	v29 =	vmul.f32 v29, v22  }
0x9b: {  	v26 =	vadd.f32 v26, v28  }
0x9c: {  	v27 =	vadd.f32 v27, v29  }
0x9d: {  	v28 =	vmul.f32 v30, v17;
	v29 =	vmul.f32 v31, v18  }
0x9e: {  	v25 =	vmul.f32 v25, v16;
	v30 =	vmul.f32 v32, v19;
	v26 =	vadd.f32 v27, v26;
	_ =	sdelay $0x1  }
.Ltmp0:
0x9f: {  	v25 =	vadd.f32 v28, v25;
	v27 =	vadd.f32 v30, v29;
	(pc) =	sbr.rel @p0 .LBB2_3-.Ltmp0, $3  }
0xa0: {  	_ = 	snop  }
0xa1: {  	v25 =	vadd.f32 v27, v25;
	_ =	sdelay $0x1  }
0xa2: {  	v25 =	vadd.f32 v26, v25  }
0xa3: {  	_ = 	snop  }
0xa4: {  	[tilespmem:s23+$0x0] =	vst v25  }
0xa5: {  	v25 =	vld [tilespmem:s24+$0x80]  }
0xa6: {  	v26 =	vld [tilespmem:s24+$0x90]  }
0xa7: {  	v27 =	vld [tilespmem:s24+$0xA0]  }
0xa8: {  	v28 =	vld [tilespmem:s24+$0xC0]  }
0xa9: {  	v29 =	vld [tilespmem:s24+$0xD0]  }
0xaa: {  	v30 =	vld [tilespmem:s24+$0xE0]  }
0xab: {  	v31 =	vld [tilespmem:s24+$0xF0]  }
0xac: {  	v32 =	vld [tilespmem:s24+$0xB0];
	_ =	sdelay $0x1  }
0xad: {  	v26 =	vmul.f32 v26, v17;
	v28 =	vmul.f32 v28, v20  }
0xae: {  	v29 =	vmul.f32 v29, v21;
	v30 =	vmul.f32 v30, v22  }
0xaf: {  	v25 =	vmul.f32 v25, v16;
	v31 =	vmul.f32 v31, v23  }
0xb0: {  	v27 =	vmul.f32 v27, v18;
	v32 =	vmul.f32 v32, v19  }
0xb1: {  	v28 =	vadd.f32 v29, v28;
	v52 =	vadd.f32 v31, v30  }
0xb2: {  	v25 =	vadd.f32 v26, v25;
	v26 =	vadd.f32 v32, v27;
	_ =	sdelay $0x1  }
0xb3: {  	v25 =	vadd.f32 v26, v25;
	v26 =	vadd.f32 v52, v28;
	_ =	sdelay $0x1  }
0xb4: {  	v25 =	vadd.f32 v26, v25;
	_ =	sdelay $0x1  }
0xb5: {  	[tilespmem:s23+$0x80] =	vst v25  }
0xb6: {  	v25 =	vld.idx.msk [tilespmem:v0+s16+$0x0], $0xffff  }
0xb7: {  	v26 =	vld.idx.msk [tilespmem:v1+s16+$0x0], $0xffff  }
0xb8: {  	v27 =	vld.idx.msk [tilespmem:v2+s16+$0x0], $0xffff  }
0xb9: {  	v53 =	vld.idx.msk [tilespmem:v3+s16+$0x0], $0xffff  }
0xba: {  	v54 =	vld.idx.msk [tilespmem:v4+s16+$0x0], $0xffff  }
0xbb: {  	v55 =	vld.idx.msk [tilespmem:v5+s16+$0x0], $0xffff  }
0xbc: {  	v56 =	vld.idx.msk [tilespmem:v6+s16+$0x0], $0xffff  }
0xbd: {  	v57 =	vld.idx.msk [tilespmem:v7+s16+$0x0], $0xffff  }
0xbe: {  	v33 =	vld.idx.msk [tilespmem:v8+s16+$0x0], $0xffff  }
0xbf: {  	v34 =	vld.idx.msk [tilespmem:v9+s16+$0x0], $0xffff  }
0xc0: {  	v35 =	vld.idx.msk [tilespmem:v10+s16+$0x0], $0xffff  }
0xc1: {  	v36 =	vld.idx.msk [tilespmem:v11+s16+$0x0], $0xffff  }
0xc2: {  	v37 =	vld.idx.msk [tilespmem:v12+s16+$0x0], $0xffff  }
0xc3: {  	v38 =	vld.idx.msk [tilespmem:v13+s16+$0x0], $0xffff  }
0xc4: {  	v39 =	vld.idx.msk [tilespmem:v14+s16+$0x0], $0xffff  }
0xc5: {  	v40 =	vld.idx.msk [tilespmem:v15+s16+$0x0], $0xffff;
	_ =	sdelay $0x1  }
0xc6: {  	v25 =	vadd.f32 v26, v25;
	v26 =	vadd.f32 v53, v27  }
0xc7: {  	v27 =	vadd.f32 v55, v54;
	v58 =	vadd.f32 v57, v56  }
0xc8: {  	v59 =	vadd.f32 v34, v33;
	v60 =	vadd.f32 v36, v35  }
0xc9: {  	v61 =	vadd.f32 v38, v37;
	v62 =	vadd.f32 v40, v39  }
0xca: {  	v25 =	vadd.f32 v26, v25;
	v26 =	vadd.f32 v58, v27  }
0xcb: {  	v27 =	vadd.f32 v60, v59;
	v63 =	vadd.f32 v62, v61;
	_ =	sdelay $0x1  }
0xcc: {  	v25 =	vadd.f32 v26, v25;
	v26 =	vadd.f32 v63, v27;
	_ =	sdelay $0x1  }
0xcd: {  	v25 =	vadd.f32 v26, v25;
	_ =	sdelay $0x1  }
0xce: {  	v25 =	vadd.f32 v25, v24;
	_ =	sdelay $0x1  }
0xcf: {  	v25 =	vsub.f32 $0.0e+00, v25;
	_ =	sdelay $0x1  }
0xd0: {  	v25 =	vmul.f32 $1.442695020e+00, v25;
	_ =	sdelay $0x1  }
0xd1: {  	(erf) = vpow2.f32 v25;
	_ =	sdelay $0x8  }
0xd2: {  	v25 =	vpop (erf)  }
0xd3: {  	v25 =	vadd.f32 $1.000000000e+00, v25;
	_ =	sdelay $0x1  }
0xd4: {  	(erf) = vrcp.f32 v25;
	_ =	sdelay $0x3  }
0xd5: {  	s22 =	sshll.u32 s21, $0x4;
	s21 =	sadd.s32 $0x1, s21  }
0xd6: {  	p0 =	sne.s32 s21, $0x4  }
.Ltmp1:
0xd7: {  	_ = 	snop;
	(pc) =	sbr.rel @p0 .LBB2_2-.Ltmp1, $3  }
0xd8: {  	_ =	sdelay $0x1  }
0xd9: {  	s22 =	sand.u32 $0x3FFFFFF0, s22;
	v25 =	vpop (erf)  }
0xda: {  	s20 =	sadd.s32 $0x800, s20;
	[tilespmem:s22+$0x4900] =	vst v25  }
0xdb: {  	_ =	swait.ge [sflag:s17], $0x2000  }
0xdc: {  	[sflag:s17] =	ssyncset.done $0x0  }
0xdd: {  	s20 =	simm.s32 $0x4;
	s21 =	simm.s32 $0x21F0;
	[sflag:s17] =	ssyncadd.s32 $0xFFFFE000  }
.LBB2_6:
0xde: {  	v25 =	vld [tilespmem:s21+$0xFFFFFE60]  }
0xdf: {  	v26 =	vld [tilespmem:s21+$0xFFFFFE50]  }
0xe0: {  	v27 =	vld [tilespmem:s21+$0xFFFFFE40]  }
0xe1: {  	v28 =	vld [tilespmem:s21+$0xFFFFFE10]  }
0xe2: {  	v29 =	vld [tilespmem:s21+$0xFFFFFE70]  }
0xe3: {  	v30 =	vld [tilespmem:s21+$0xFFFFFE80]  }
0xe4: {  	v31 =	vld [tilespmem:s21+$0xFFFFFE30]  }
0xe5: {  	v32 =	vld [tilespmem:s21+$0xFFFFFE20];
	_ =	sdelay $0x1  }
0xe6: {  	v26 =	vmul.f32 v26, v20;
	v25 =	vmul.f32 v25, v21  }
0xe7: {  	v29 =	vmul.f32 v29, v22;
	v30 =	vmul.f32 v30, v23  }
0xe8: {  	v28 =	vmul.f32 v28, v16;
	v31 =	vmul.f32 v31, v18  }
0xe9: {  	v32 =	vmul.f32 v32, v17;
	v27 =	vmul.f32 v27, v19  }
0xea: {  	v25 =	vadd.f32 v25, v26;
	v26 =	vadd.f32 v30, v29  }
0xeb: {  	v28 =	vadd.f32 v32, v28;
	v27 =	vadd.f32 v27, v31;
	_ =	sdelay $0x1  }
0xec: {  	v25 =	vadd.f32 v26, v25;
	v26 =	vadd.f32 v27, v28;
	_ =	sdelay $0x1  }
0xed: {  	v25 =	vadd.f32 v25, v26  }
0xee: {  	s22 =	simm.s32 $0x4200  }
0xef: {  	[tilespmem:s22+$0xFFFFFF00] =	vst v25  }
0xf0: {  	v25 =	vld [tilespmem:s21+$0xFFFFFE90]  }
0xf1: {  	v26 =	vld [tilespmem:s21+$0xFFFFFEA0]  }
0xf2: {  	v27 =	vld [tilespmem:s21+$0xFFFFFEB0]  }
0xf3: {  	v52 =	vld [tilespmem:s21+$0xFFFFFEC0]  }
0xf4: {  	v53 =	vld [tilespmem:s21+$0xFFFFFED0]  }
0xf5: {  	v54 =	vld [tilespmem:s21+$0xFFFFFF00]  }
0xf6: {  	v55 =	vld [tilespmem:s21+$0xFFFFFEF0]  }
0xf7: {  	v56 =	vld [tilespmem:s21+$0xFFFFFEE0];
	_ =	sdelay $0x1  }
0xf8: {  	v26 =	vmul.f32 v26, v17;
	v27 =	vmul.f32 v27, v18  }
0xf9: {  	v28 =	vmul.f32 v52, v19;
	v29 =	vmul.f32 v53, v20  }
0xfa: {  	v25 =	vmul.f32 v25, v16;
	v30 =	vmul.f32 v54, v23  }
0xfb: {  	v32 =	vmul.f32 v56, v21;
	v31 =	vmul.f32 v55, v22  }
0xfc: {  	v27 =	vadd.f32 v28, v27;
	v25 =	vadd.f32 v26, v25  }
0xfd: {  	v26 =	vadd.f32 v32, v29;
	v57 =	vadd.f32 v30, v31;
	_ =	sdelay $0x1  }
0xfe: {  	v25 =	vadd.f32 v27, v25;
	v26 =	vadd.f32 v57, v26;
	_ =	sdelay $0x1  }
0xff: {  	v25 =	vadd.f32 v26, v25;
	_ =	sdelay $0x1  }
0x100: {  	[tilespmem:s22+$0xFFFFFF80] =	vst v25  }
0x101: {  	v25 =	vld [tilespmem:s21+$0xFFFFFF10]  }
0x102: {  	v26 =	vld [tilespmem:s21+$0xFFFFFF60]  }
0x103: {  	v27 =	vld [tilespmem:s21+$0xFFFFFF80]  }
0x104: {  	v58 =	vld [tilespmem:s21+$0xFFFFFF50]  }
0x105: {  	v59 =	vld [tilespmem:s21+$0xFFFFFF70]  }
0x106: {  	v60 =	vld [tilespmem:s21+$0xFFFFFF20]  }
0x107: {  	v61 =	vld [tilespmem:s21+$0xFFFFFF30]  }
0x108: {  	v62 =	vld [tilespmem:s21+$0xFFFFFF40];
	_ =	sdelay $0x1  }
0x109: {  	v28 =	vmul.f32 v58, v20;
	v26 =	vmul.f32 v26, v21  }
0x10a: {  	v29 =	vmul.f32 v59, v22;
	v27 =	vmul.f32 v27, v23  }
0x10b: {  	v30 =	vmul.f32 v60, v17;
	v31 =	vmul.f32 v61, v18  }
0x10c: {  	v25 =	vmul.f32 v25, v16;
	v32 =	vmul.f32 v62, v19  }
0x10d: {  	v26 =	vadd.f32 v26, v28;
	v27 =	vadd.f32 v27, v29  }
0x10e: {  	v25 =	vadd.f32 v30, v25;
	v63 =	vadd.f32 v32, v31;
	_ =	sdelay $0x1  }
0x10f: {  	v26 =	vadd.f32 v27, v26;
	v25 =	vadd.f32 v63, v25  }
0x110: {  	s25 =	simm.s32 $0x0  }
0x111: {  	s26 =	smov.u32 s21;
	s23 =	simm.s32 $0x4200;
	s24 =	smov.u32 s21;
	v25 =	vadd.f32 v26, v25  }
.LBB2_7:
0x112: {  	s25 =	sadd.s32 $0x4, s25;
	s22 =	sadd.s32 $0x200, s22;
	s26 =	sadd.s32 $0x200, s26  }
0x113: {  	p0 =	slt.u32 s25, $0xC;
	[tilespmem:s23+$0x0] =	vst v25  }
0x114: {  	v25 =	vld [tilespmem:s24+$0xFFFFFF90]  }
0x115: {  	v26 =	vld [tilespmem:s24+$0xFFFFFFA0]  }
0x116: {  	v27 =	vld [tilespmem:s24+$0xFFFFFFB0]  }
0x117: {  	v28 =	vld [tilespmem:s24+$0xFFFFFFD0]  }
0x118: {  	v29 =	vld [tilespmem:s24+$0xFFFFFFE0]  }
0x119: {  	v30 =	vld [tilespmem:s24+$0xFFFFFFF0]  }
0x11a: {  	v26 =	vmul.f32 v26, v17;
	v31 =	vld [tilespmem:s24+$0x0]  }
0x11b: {  	v32 =	vld [tilespmem:s24+$0xFFFFFFC0];
	s24 =	smov.u32 s26  }
0x11c: {  	v28 =	vmul.f32 v28, v20  }
0x11d: {  	v29 =	vmul.f32 v29, v21  }
0x11e: {  	v30 =	vmul.f32 v30, v22  }
0x11f: {  	v25 =	vmul.f32 v25, v16;
	v31 =	vmul.f32 v31, v23;
	v28 =	vadd.f32 v29, v28  }
0x120: {  	v27 =	vmul.f32 v27, v18;
	v29 =	vmul.f32 v32, v19  }
0x121: {  	v30 =	vadd.f32 v31, v30  }
0x122: {  	v25 =	vadd.f32 v26, v25;
	v26 =	vadd.f32 v29, v27;
	_ =	sdelay $0x1  }
0x123: {  	v25 =	vadd.f32 v26, v25;
	v26 =	vadd.f32 v30, v28;
	_ =	sdelay $0x1  }
0x124: {  	v25 =	vadd.f32 v26, v25;
	_ =	sdelay $0x1  }
0x125: {  	[tilespmem:s23+$0x80] =	vst v25;
	s23 =	smov.u32 s22;
	_ =	sdelay $0x1  }
0x126: {  	v25 =	vld [tilespmem:s26+$0xFFFFFE60]  }
0x127: {  	v26 =	vld [tilespmem:s26+$0xFFFFFE50]  }
0x128: {  	v27 =	vld [tilespmem:s26+$0xFFFFFE40]  }
0x129: {  	v28 =	vld [tilespmem:s26+$0xFFFFFE10]  }
0x12a: {  	v29 =	vld [tilespmem:s26+$0xFFFFFE70]  }
0x12b: {  	v30 =	vld [tilespmem:s26+$0xFFFFFE80]  }
0x12c: {  	v31 =	vld [tilespmem:s26+$0xFFFFFE30]  }
0x12d: {  	v32 =	vld [tilespmem:s26+$0xFFFFFE20];
	_ =	sdelay $0x1  }
0x12e: {  	v25 =	vmul.f32 v25, v21;
	v26 =	vmul.f32 v26, v20  }
0x12f: {  	v29 =	vmul.f32 v29, v22;
	v30 =	vmul.f32 v30, v23  }
0x130: {  	v28 =	vmul.f32 v28, v16;
	v25 =	vadd.f32 v25, v26;
	v31 =	vmul.f32 v31, v18  }
0x131: {  	v27 =	vmul.f32 v27, v19;
	v26 =	vmul.f32 v32, v17;
	v29 =	vadd.f32 v30, v29;
	_ =	sdelay $0x1  }
0x132: {  	v27 =	vadd.f32 v27, v31;
	v26 =	vadd.f32 v26, v28  }
0x133: {  	v25 =	vadd.f32 v29, v25  }
0x134: {  	v26 =	vadd.f32 v27, v26;
	_ =	sdelay $0x1  }
0x135: {  	v25 =	vadd.f32 v25, v26;
	_ =	sdelay $0x1  }
0x136: {  	[tilespmem:s22+$0xFFFFFF00] =	vst v25  }
0x137: {  	v25 =	vld [tilespmem:s26+$0xFFFFFE90]  }
0x138: {  	v26 =	vld [tilespmem:s26+$0xFFFFFEA0]  }
0x139: {  	v27 =	vld [tilespmem:s26+$0xFFFFFEB0]  }
0x13a: {  	v28 =	vld [tilespmem:s26+$0xFFFFFEC0]  }
0x13b: {  	v29 =	vld [tilespmem:s26+$0xFFFFFED0]  }
0x13c: {  	v30 =	vld [tilespmem:s26+$0xFFFFFF00]  }
0x13d: {  	v26 =	vmul.f32 v26, v17;
	v31 =	vld [tilespmem:s26+$0xFFFFFEF0]  }
0x13e: {  	v32 =	vld [tilespmem:s26+$0xFFFFFEE0]  }
0x13f: {  	v27 =	vmul.f32 v27, v18;
	v28 =	vmul.f32 v28, v19  }
0x140: {  	v29 =	vmul.f32 v29, v20  }
0x141: {  	v27 =	vadd.f32 v28, v27  }
0x142: {  	v25 =	vmul.f32 v25, v16;
	v28 =	vmul.f32 v30, v23  }
0x143: {  	v31 =	vmul.f32 v31, v22;
	v30 =	vmul.f32 v32, v21  }
0x144: {  	v25 =	vadd.f32 v26, v25  }
0x145: {  	v28 =	vadd.f32 v28, v31;
	v26 =	vadd.f32 v30, v29;
	_ =	sdelay $0x1  }
0x146: {  	v25 =	vadd.f32 v27, v25;
	v26 =	vadd.f32 v28, v26;
	_ =	sdelay $0x1  }
0x147: {  	v25 =	vadd.f32 v26, v25;
	_ =	sdelay $0x1  }
0x148: {  	[tilespmem:s22+$0xFFFFFF80] =	vst v25  }
0x149: {  	v25 =	vld [tilespmem:s26+$0xFFFFFF10]  }
0x14a: {  	v26 =	vld [tilespmem:s26+$0xFFFFFF60]  }
0x14b: {  	v27 =	vld [tilespmem:s26+$0xFFFFFF80]  }
0x14c: {  	v28 =	vld [tilespmem:s26+$0xFFFFFF50]  }
0x14d: {  	v29 =	vld [tilespmem:s26+$0xFFFFFF70]  }
0x14e: {  	v30 =	vld [tilespmem:s26+$0xFFFFFF20];
	_ =	sdelay $0x1  }
0x14f: {  	v31 =	vld [tilespmem:s26+$0xFFFFFF30]  }
0x150: {  	v26 =	vmul.f32 v26, v21;
	v32 =	vld [tilespmem:s26+$0xFFFFFF40];
	v28 =	vmul.f32 v28, v20  }
0x151: {  	v27 =	vmul.f32 v27, v23;
	v29 =	vmul.f32 v29, v22  }
0x152: {  	v26 =	vadd.f32 v26, v28  }
0x153: {  	v27 =	vadd.f32 v27, v29  }
0x154: {  	v28 =	vmul.f32 v30, v17;
	v29 =	vmul.f32 v31, v18  }
0x155: {  	v25 =	vmul.f32 v25, v16;
	v30 =	vmul.f32 v32, v19;
	v26 =	vadd.f32 v27, v26;
	_ =	sdelay $0x1  }
.Ltmp2:
0x156: {  	v25 =	vadd.f32 v28, v25;
	v27 =	vadd.f32 v30, v29;
	(pc) =	sbr.rel @p0 .LBB2_7-.Ltmp2, $3  }
0x157: {  	_ = 	snop  }
0x158: {  	v25 =	vadd.f32 v27, v25;
	_ =	sdelay $0x1  }
0x159: {  	v25 =	vadd.f32 v26, v25  }
0x15a: {  	_ = 	snop  }
0x15b: {  	[tilespmem:s23+$0x0] =	vst v25  }
0x15c: {  	v25 =	vld [tilespmem:s24+$0xFFFFFF90]  }
0x15d: {  	v26 =	vld [tilespmem:s24+$0xFFFFFFA0]  }
0x15e: {  	v27 =	vld [tilespmem:s24+$0xFFFFFFB0]  }
0x15f: {  	v28 =	vld [tilespmem:s24+$0xFFFFFFD0]  }
0x160: {  	v29 =	vld [tilespmem:s24+$0xFFFFFFE0]  }
0x161: {  	v30 =	vld [tilespmem:s24+$0xFFFFFFF0]  }
0x162: {  	v31 =	vld [tilespmem:s24+$0x0]  }
0x163: {  	v32 =	vld [tilespmem:s24+$0xFFFFFFC0];
	_ =	sdelay $0x1  }
0x164: {  	v26 =	vmul.f32 v26, v17;
	v28 =	vmul.f32 v28, v20  }
0x165: {  	v29 =	vmul.f32 v29, v21;
	v30 =	vmul.f32 v30, v22  }
0x166: {  	v25 =	vmul.f32 v25, v16;
	v31 =	vmul.f32 v31, v23  }
0x167: {  	v27 =	vmul.f32 v27, v18;
	v32 =	vmul.f32 v32, v19  }
0x168: {  	v28 =	vadd.f32 v29, v28;
	v52 =	vadd.f32 v31, v30  }
0x169: {  	v25 =	vadd.f32 v26, v25;
	v26 =	vadd.f32 v32, v27;
	_ =	sdelay $0x1  }
0x16a: {  	v25 =	vadd.f32 v26, v25;
	v26 =	vadd.f32 v52, v28;
	_ =	sdelay $0x1  }
0x16b: {  	v25 =	vadd.f32 v26, v25;
	_ =	sdelay $0x1  }
0x16c: {  	[tilespmem:s23+$0x80] =	vst v25  }
0x16d: {  	v25 =	vld.idx.msk [tilespmem:v0+s16+$0x0], $0xffff  }
0x16e: {  	v26 =	vld.idx.msk [tilespmem:v1+s16+$0x0], $0xffff  }
0x16f: {  	v27 =	vld.idx.msk [tilespmem:v2+s16+$0x0], $0xffff  }
0x170: {  	v53 =	vld.idx.msk [tilespmem:v3+s16+$0x0], $0xffff  }
0x171: {  	v54 =	vld.idx.msk [tilespmem:v4+s16+$0x0], $0xffff  }
0x172: {  	v55 =	vld.idx.msk [tilespmem:v5+s16+$0x0], $0xffff  }
0x173: {  	v56 =	vld.idx.msk [tilespmem:v6+s16+$0x0], $0xffff  }
0x174: {  	v57 =	vld.idx.msk [tilespmem:v7+s16+$0x0], $0xffff  }
0x175: {  	v33 =	vld.idx.msk [tilespmem:v8+s16+$0x0], $0xffff  }
0x176: {  	v34 =	vld.idx.msk [tilespmem:v9+s16+$0x0], $0xffff  }
0x177: {  	v35 =	vld.idx.msk [tilespmem:v10+s16+$0x0], $0xffff  }
0x178: {  	v36 =	vld.idx.msk [tilespmem:v11+s16+$0x0], $0xffff  }
0x179: {  	v37 =	vld.idx.msk [tilespmem:v12+s16+$0x0], $0xffff  }
0x17a: {  	v38 =	vld.idx.msk [tilespmem:v13+s16+$0x0], $0xffff  }
0x17b: {  	v39 =	vld.idx.msk [tilespmem:v14+s16+$0x0], $0xffff  }
0x17c: {  	v40 =	vld.idx.msk [tilespmem:v15+s16+$0x0], $0xffff;
	_ =	sdelay $0x1  }
0x17d: {  	v25 =	vadd.f32 v26, v25;
	v26 =	vadd.f32 v53, v27  }
0x17e: {  	v27 =	vadd.f32 v55, v54;
	v58 =	vadd.f32 v57, v56  }
0x17f: {  	v59 =	vadd.f32 v34, v33;
	v60 =	vadd.f32 v36, v35  }
0x180: {  	v61 =	vadd.f32 v38, v37;
	v62 =	vadd.f32 v40, v39  }
0x181: {  	v25 =	vadd.f32 v26, v25;
	v26 =	vadd.f32 v58, v27  }
0x182: {  	v27 =	vadd.f32 v60, v59;
	v63 =	vadd.f32 v62, v61;
	_ =	sdelay $0x1  }
0x183: {  	v25 =	vadd.f32 v26, v25;
	v26 =	vadd.f32 v63, v27;
	_ =	sdelay $0x1  }
0x184: {  	v25 =	vadd.f32 v26, v25;
	_ =	sdelay $0x1  }
0x185: {  	v25 =	vadd.f32 v25, v24;
	_ =	sdelay $0x1  }
0x186: {  	v25 =	vsub.f32 $0.0e+00, v25;
	_ =	sdelay $0x1  }
0x187: {  	v25 =	vmul.f32 $1.442695020e+00, v25;
	_ =	sdelay $0x1  }
0x188: {  	(erf) = vpow2.f32 v25;
	_ =	sdelay $0x8  }
0x189: {  	v25 =	vpop (erf)  }
0x18a: {  	v25 =	vadd.f32 $1.000000000e+00, v25;
	_ =	sdelay $0x1  }
0x18b: {  	(erf) = vrcp.f32 v25;
	_ =	sdelay $0x3  }
0x18c: {  	s22 =	sshll.u32 s20, $0x4;
	s20 =	sadd.s32 $0x1, s20  }
0x18d: {  	p0 =	sne.s32 s20, $0x8  }
.Ltmp3:
0x18e: {  	_ = 	snop;
	(pc) =	sbr.rel @p0 .LBB2_6-.Ltmp3, $3  }
0x18f: {  	_ =	sdelay $0x1  }
0x190: {  	s22 =	sand.u32 $0x3FFFFFF0, s22;
	v25 =	vpop (erf)  }
0x191: {  	s21 =	sadd.s32 $0x800, s21;
	[tilespmem:s22+$0x4900] =	vst v25  }
0x192: {  	s19 =	sadd.s32 $0x1, s19  }
0x193: {  	p0 =	sne.s32 s19, s8  }
.Ltmp4:
0x194: {  	_ = 	snop;
	(pc) =	sbr.rel @p0 .LBB2_1-.Ltmp4, $4  }
0x195: {  	[hbm4b:s7+s3] =	stream.linear.scatter [tilespmem:s18], [sflag:$0x3], $0x80, $0x38;
	[tilespmem:$0x4980] =	vst v63  }
0x196: {  	_ =	swait.ge [sflag:s13], $0x80  }
0x197: {  	[sflag:s13] =	ssyncset.done $0x0  }
0x198: {  	[sflag:s13] =	ssyncadd.s32 $0xFFFFFF80  }
0x199: {  	_ =	sfence.sel $0x180000  }
0x19a: {  	[bflag:$0x0] =	sbarrier.arrive $0xFFFF  }
0x19b: {  	p0 =	sne.s32 s0, $0x0;
	_ =	strace $0x90000047  }
0x19c: {  	s0 =	sadd.s32 @!p0 $0x100000, s2;
	[bflag:$0x2] =	sbarrier.arrive $0xFFFF  }
0x19d: {  	[sflag:s0] =	ssyncadd.tile.s32 @!p0 $0x1;
	_ =	shalt  }
.Lfunc_end2:
_tile_overlayer_lowered:
.L_overlay_start_2:
0x19e: {  	(tag) =	ssettag $0x2  }
0x19f: {  	s0 =	rddreg [dreg:$0x0];
	s2 =	stileid.u32  }
0x1a0: {  	s1 =	rddreg [dreg:$0x1];
	p0 =	sne.s32 s2, $0x0  }
0x1a1: {  	s3 =	rddreg [dreg:$0x2];
	[bflag:$0x3] =	sbarrier.arrive $0xFFFF;
	s2 =	simm.s32 @!p0 $0x1C03  }
0x1a2: {  	[timem:s3], [sflag:s2] =	dma.local @!p0 [hbm:s0], s1  }
0x1a3: {  	s0 =	simm.s32 @!p0 $0x3  }
0x1a4: {  	_ =	swait.ge @!p0 [sflag:s0], s1  }
0x1a5: {  	s1 =	ssub.s32 @!p0 $0x0, s1;
	[sflag:s0] =	ssyncset.done @!p0 $0x0  }
0x1a6: {  	[sflag:s0] =	ssyncadd.s32 @!p0 s1  }
0x1a7: {  	[bflag:$0x3] =	sbarrier.arrive $0xFFFF  }
0x1a8: {  	_ =	shalt  }

</sc_bundles>
